<compile_context>
chip_gen: v7x
topology: tpu7x:2x2x1
jax: 0.10.2.dev20260603
libtpu: 0.0.44.dev20260713+nightly
codegen_flags: <defaults>
</compile_context>

<pallas_src>
import functools

import jax
import jax.numpy as jnp
from jax import lax
from jax.experimental import pallas as pl
from jax.experimental.pallas import tpu as pltpu
from jax.experimental.pallas import tpu_sc as plsc

F32 = jnp.float32
I32 = jnp.int32


def _dot_t(a, b):
    return lax.dot_general(a, b, (((1,), (1,)), ((), ())),
                           preferred_element_type=F32)


def _dot_t_bf16(a, b):
    return lax.dot_general(a.astype(jnp.bfloat16), b.astype(jnp.bfloat16),
                           (((1,), (1,)), ((), ())),
                           preferred_element_type=F32)


def _router_body(E, CAP, CAPP, NSLOT, TB, T,
                 x_ref, wr_ref, br_ref, wn_ref, bn_ref, eps_ref,
                 slot_ref, lb_ref, cnt_scr):
    i = pl.program_id(0)

    @pl.when(i == 0)
    def _():
        cnt_scr[...] = jnp.zeros_like(cnt_scr)

    xb = x_ref[...]
    logits = _dot_t(xb, wr_ref[...]) + br_ref[...]
    nlog = _dot_t(xb, wn_ref[...]) + bn_ref[...]
    noisy = logits + eps_ref[...] * jax.nn.softplus(nlog)

    mx = jnp.max(noisy, axis=1, keepdims=True)
    iota_e = lax.broadcasted_iota(I32, (TB, E), 1)
    e_t = jnp.min(jnp.where(noisy == mx, iota_e, E), axis=1,
                  keepdims=True)

    iota_l = lax.broadcasted_iota(I32, (TB, 128), 1)
    onehot = (iota_l == e_t).astype(F32)
    r_i = lax.broadcasted_iota(I32, (TB, TB), 0)
    c_i = lax.broadcasted_iota(I32, (TB, TB), 1)
    tri = (r_i > c_i).astype(F32)
    prefix = jnp.dot(tri, onehot, preferred_element_type=F32)

    base = cnt_scr[...]
    rank = jnp.sum(onehot * (prefix + base), axis=1, keepdims=True)
    cnt_scr[...] = base + jnp.sum(onehot, axis=0, keepdims=True)

    rank_i = rank.astype(I32)
    slot_ref[...] = jnp.where(rank_i < CAP, e_t * CAPP + rank_i, NSLOT - 1)

    @pl.when(i == pl.num_programs(0) - 1)
    def _():
        frac = cnt_scr[...] * (1.0 / T)
        lb_ref[...] = jnp.sum(frac * frac, keepdims=True).reshape(1, 1) * E


def _experts_body(E, x_ref, w1_ref, b1_ref, w2_ref, b2_ref, y_ref):
    e = pl.program_id(0)

    @pl.when(e < E)
    def _():
        h = jnp.maximum(_dot_t_bf16(x_ref[...], w1_ref[0]) + b1_ref[0], 0.0)
        y_ref[...] = _dot_t_bf16(h, w2_ref[0]) + b2_ref[0]

    @pl.when(e == E)
    def _():
        y_ref[...] = jnp.zeros_like(y_ref)


def _shared_body(x_ref, ws1_ref, bs1_ref, ws2_ref, bs2_ref, rt_ref, o_ref):
    h = jnp.maximum(_dot_t_bf16(x_ref[...], ws1_ref[...]) + bs1_ref[...], 0.0)
    o_ref[...] = _dot_t_bf16(h, ws2_ref[...]) + bs2_ref[...] + rt_ref[...]


def kernel(x, Wr, br, Wn, bn, W1, b1, W2, b2, Ws1, bs1, Ws2, bs2):
    B, S, D = x.shape
    E = Wr.shape[0]
    T = B * S
    CAP = int(T * 1.1 / E)
    CAPP = ((CAP + 15) // 16) * 16
    NSLOT = (E + 1) * CAPP
    TB = 512

    x2d = x.reshape(T, D)
    eps = jnp.full((B, S, E), 0.3, x.dtype)
    eps2d = eps.reshape(T, E)

    slot2, lb = pl.pallas_call(
        functools.partial(_router_body, E, CAP, CAPP, NSLOT, TB, T),
        grid=(T // TB,),
        in_specs=[
            pl.BlockSpec((TB, D), lambda i: (i, 0)),
            pl.BlockSpec((E, D), lambda i: (0, 0)),
            pl.BlockSpec((1, E), lambda i: (0, 0)),
            pl.BlockSpec((E, D), lambda i: (0, 0)),
            pl.BlockSpec((1, E), lambda i: (0, 0)),
            pl.BlockSpec((TB, E), lambda i: (i, 0)),
        ],
        out_specs=[
            pl.BlockSpec((TB, 1), lambda i: (i, 0)),
            pl.BlockSpec((1, 1), lambda i: (0, 0)),
        ],
        out_shape=[
            jax.ShapeDtypeStruct((T, 1), I32),
            jax.ShapeDtypeStruct((1, 1), F32),
        ],
        scratch_shapes=[pltpu.VMEM((1, 128), F32)],
    )(x2d, Wr, br.reshape(1, E), Wn, bn.reshape(1, E), eps2d)
    slot = slot2.reshape(T)

    mesh = plsc.VectorSubcoreMesh(core_axis_name="c", subcore_axis_name="s")
    NW = 32
    sc_params = pltpu.CompilerParams(needs_layout_passes=False)

    R3 = NSLOT // NW
    CH3 = [(0, 64), (64, 64), (128, 64), (192, 64), (256, R3 - 256)]

    @functools.partial(
        pl.kernel,
        out_type=jax.ShapeDtypeStruct((NSLOT, D), F32),
        mesh=mesh,
        scratch_types=[
            pltpu.VMEM((T,), I32),
            pltpu.VMEM((NSLOT,), I32),
            pltpu.VMEM((64, D), F32),
            pltpu.SemaphoreType.DMA,
        ],
        compiler_params=sc_params,
    )
    def _k3(x_hbm, slot_hbm, xe_hbm, slot_v, tfs_v, rows_v, sem):
        pltpu.sync_copy(slot_hbm, slot_v)

        def init_body(i, carry):
            tfs_v[pl.ds(i * 16, 16)] = (lax.iota(I32, 16) + i * 16) & (T - 1)
            return carry

        lax.fori_loop(0, NSLOT // 16, init_body, 0)

        def scat_body(i, carry):
            ids = slot_v[pl.ds(i * 16, 16)]
            toks = lax.iota(I32, 16) + i * 16
            plsc.store_scatter(tfs_v, [ids], toks)
            return carry

        lax.fori_loop(0, T // 16, scat_body, 0)

        wid = lax.axis_index("s") * 2 + lax.axis_index("c")
        base = wid * R3
        for off, cn in CH3:
            dst = rows_v if cn == 64 else rows_v.at[pl.ds(0, cn)]
            pltpu.async_copy(x_hbm.at[tfs_v.at[pl.ds(base + off, cn)]],
                             dst, sem).wait()
            pltpu.sync_copy(dst, xe_hbm.at[pl.ds(base + off, cn)])

    xe = _k3(x2d, slot)

    def _wmap(e):
        return (jnp.minimum(e, E - 1), 0, 0)

    y = pl.pallas_call(
        functools.partial(_experts_body, E),
        grid=(E + 1,),
        in_specs=[
            pl.BlockSpec((CAPP, D), lambda e: (e, 0)),
            pl.BlockSpec((1, D, D), _wmap),
            pl.BlockSpec((1, 1, D), _wmap),
            pl.BlockSpec((1, D, D), _wmap),
            pl.BlockSpec((1, 1, D), _wmap),
        ],
        out_specs=pl.BlockSpec((CAPP, D), lambda e: (e, 0)),
        out_shape=jax.ShapeDtypeStruct((NSLOT, D), F32),
    )(xe, W1, b1.reshape(E, 1, D), W2, b2.reshape(E, 1, D))

    R5 = T // NW
    NB5 = R5 // 64

    @functools.partial(
        pl.kernel,
        out_type=jax.ShapeDtypeStruct((T, D), F32),
        mesh=mesh,
        scratch_types=[
            pltpu.VMEM((R5,), I32),
            pltpu.VMEM((2, 64, D), F32),
            pltpu.SemaphoreType.DMA,
            pltpu.SemaphoreType.DMA,
            pltpu.SemaphoreType.DMA,
            pltpu.SemaphoreType.DMA,
        ],
        compiler_params=sc_params,
    )
    def _k5(y_hbm, slot_hbm, rt_hbm, sidx_v, rows_v, g0, g1, w0, w1):
        wid = lax.axis_index("s") * 2 + lax.axis_index("c")
        base = wid * R5
        pltpu.sync_copy(slot_hbm.at[pl.ds(base, R5)], sidx_v)
        gsems, wsems = [g0, g1], [w0, w1]
        gh = [None] * NB5
        wh = [None] * NB5
        for c in range(NB5):
            if c >= 2:
                wh[c - 2].wait()
            gh[c] = pltpu.async_copy(
                y_hbm.at[sidx_v.at[pl.ds(c * 64, 64)]],
                rows_v.at[c % 2], gsems[c % 2])
            if c >= 1:
                gh[c - 1].wait()
                wh[c - 1] = pltpu.async_copy(
                    rows_v.at[(c - 1) % 2],
                    rt_hbm.at[pl.ds(base + (c - 1) * 64, 64)],
                    wsems[(c - 1) % 2])
        gh[NB5 - 1].wait()
        wh[NB5 - 1] = pltpu.async_copy(
            rows_v.at[(NB5 - 1) % 2],
            rt_hbm.at[pl.ds(base + (NB5 - 1) * 64, 64)], wsems[(NB5 - 1) % 2])
        wh[NB5 - 2].wait()
        wh[NB5 - 1].wait()

    routed = _k5(y, slot)

    TB6 = 1024
    final2 = pl.pallas_call(
        _shared_body,
        grid=(T // TB6,),
        in_specs=[
            pl.BlockSpec((TB6, D), lambda i: (i, 0)),
            pl.BlockSpec((D, D), lambda i: (0, 0)),
            pl.BlockSpec((1, D), lambda i: (0, 0)),
            pl.BlockSpec((D, D), lambda i: (0, 0)),
            pl.BlockSpec((1, D), lambda i: (0, 0)),
            pl.BlockSpec((TB6, D), lambda i: (i, 0)),
        ],
        out_specs=pl.BlockSpec((TB6, D), lambda i: (i, 0)),
        out_shape=jax.ShapeDtypeStruct((T, D), F32),
    )(x2d, Ws1, bs1.reshape(1, D), Ws2, bs2.reshape(1, D), routed)

    return final2.reshape(B, S, D), lb[0, 0]

# --- scband reference (transcript-rebuilt; emitter-appended) ---
"""Pipeline reference for scband-deep-seek-mo-e-10290741641431 (READ-ONLY COPY).

The authoritative reference and input builder live on the scoring server;
editing this copy changes nothing except your own understanding.
"""

import jax, jax.numpy as jnp
import numpy as np

B = 4
S = 2048
D = 768
NUM_EXPERTS = 16
TOP_K = 2
NUM_SHARED = 1
E_ROUTED = NUM_EXPERTS - NUM_SHARED  # 15 routed experts
K_ROUTED = TOP_K - NUM_SHARED        # 1 routed top-k
CAP_FACTOR = 1.1


def setup_inputs(seed: int = 0):
    key = jax.random.key(seed)
    ks = jax.random.split(key, 14)
    x = jax.random.normal(ks[0], (B, S, D), dtype=jnp.float32)
    Wr = jax.random.normal(ks[1], (E_ROUTED, D), dtype=jnp.float32) * 0.02
    br = jnp.zeros((E_ROUTED,), dtype=jnp.float32)
    Wn = jax.random.normal(ks[2], (E_ROUTED, D), dtype=jnp.float32) * 0.02
    bn = jnp.zeros((E_ROUTED,), dtype=jnp.float32)
    W1 = jax.random.normal(ks[3], (E_ROUTED, D, D), dtype=jnp.float32) * 0.02
    b1 = jnp.zeros((E_ROUTED, D), dtype=jnp.float32)
    W2 = jax.random.normal(ks[4], (E_ROUTED, D, D), dtype=jnp.float32) * 0.02
    b2 = jnp.zeros((E_ROUTED, D), dtype=jnp.float32)
    # shared expert: scale_factor = NUM_SHARED = 1 -> hidden dim = D
    Ws1 = jax.random.normal(ks[5], (D, D), dtype=jnp.float32) * 0.02
    bs1 = jnp.zeros((D,), dtype=jnp.float32)
    Ws2 = jax.random.normal(ks[6], (D, D), dtype=jnp.float32) * 0.02
    bs2 = jnp.zeros((D,), dtype=jnp.float32)
    return {"x": x, "Wr": Wr, "br": br, "Wn": Wn, "bn": bn,
            "W1": W1, "b1": b1, "W2": W2, "b2": b2,
            "Ws1": Ws1, "bs1": bs1, "Ws2": Ws2, "bs2": bs2}


def reference(x, Wr, br, Wn, bn, W1, b1, W2, b2, Ws1, bs1, Ws2, bs2):
    # shared expert (Dropout(0.2) in eval mode -> identity)
    h_sh = jax.nn.relu(x @ Ws1.T + bs1)
    x_shared = h_sh @ Ws2.T + bs2
    # NoisyTopkRouter
    logits = x @ Wr.T + br
    noise_logits = x @ Wn.T + bn
    eps = jax.random.normal(jax.random.key(42), logits.shape, dtype=logits.dtype)
    noisy = logits + eps * jax.nn.softplus(noise_logits)
    topv, topi = jax.lax.top_k(noisy, K_ROUTED)
    onehot = jax.nn.one_hot(topi, E_ROUTED, dtype=noisy.dtype)  # [B,S,k,E]
    mask = onehot.sum(axis=-2)  # [B,S,E], 0/1
    sparse = jnp.where(mask > 0, noisy, -jnp.inf)
    probs = jax.nn.softmax(sparse, axis=-1)
    expert_prob = probs.mean(axis=(0, 1))
    expert_count = mask.mean(axis=(0, 1))
    lb_loss = E_ROUTED * jnp.sum(expert_prob * expert_count)
    # capacity-limited expert dispatch
    T = B * S
    flat_x = x.reshape(T, D)
    flat_g = probs.reshape(T, E_ROUTED)
    flat_i = topi.reshape(T, K_ROUTED)
    cap = int(T * K_ROUTED / E_ROUTED * CAP_FACTOR)
    updates = jnp.zeros_like(flat_x)
    for i in range(E_ROUTED):
        m = (flat_i == i).any(axis=-1)
        rank = jnp.cumsum(m.astype(jnp.int32))
        capped = m & (rank <= cap)  # first `cap` selected tokens in token order
        order = jnp.argsort(jnp.where(capped, 0, 1))  # stable: capped token ids first
        sel = order[:cap]
        valid = capped[sel].astype(flat_x.dtype)[:, None]
        xi = flat_x[sel]
        hi = jax.nn.relu(xi @ W1[i].T + b1[i])
        oi = hi @ W2[i].T + b2[i]
        w = oi * flat_g[sel, i][:, None] * valid
        updates = updates.at[sel].add(w)
    final = updates.reshape(B, S, D) + x_shared
    return final, lb_loss

if __name__ == "__main__":
    import jax
    _d = setup_inputs()
    print(jax.jit(kernel)(*tuple(_d.values())))

</pallas_src>

<mosaic_0001>
#map = affine_map<(d0, d1) -> (0, 0)>
#map1 = affine_map<(d0, d1) -> (0)>
module attributes {stable_mosaic.version = 14 : i64} {
  func.func @_k5(%arg0: i32, %arg1: i32, %arg2: memref<9728x768xf32, #tpu.memory_space<hbm>>, %arg3: memref<8192xi32, #tpu.memory_space<hbm>>, %arg4: memref<8192x768xf32, #tpu.memory_space<hbm>>, %arg5: memref<256xi32, #tpu.memory_space<vmem>>, %arg6: memref<2x64x768xf32, #tpu.memory_space<vmem>>, %arg7: memref<!tpu.dma_semaphore, #tpu.memory_space<semaphore_mem>>, %arg8: memref<!tpu.dma_semaphore, #tpu.memory_space<semaphore_mem>>, %arg9: memref<!tpu.dma_semaphore, #tpu.memory_space<semaphore_mem>>, %arg10: memref<!tpu.dma_semaphore, #tpu.memory_space<semaphore_mem>>) attributes {dimension_semantics = [#tpu.dimension_semantics<core_parallel>, #tpu.dimension_semantics<subcore_parallel>], iteration_bounds = array<i64: 2, 16>, scalar_prefetch = 0 : i64, scratch_operands = 6 : i64, tpu.core_type = #tpu.core_type<sc_vector_subcore>, window_params = [{transform_indices = #map}, {transform_indices = #map1}, {transform_indices = #map}]} {
    %mul3A = arith.constant 2 : i32
    %mul3A_0 = arith.muli %arg1, %mul3A : i32
    %add3A = arith.addi %mul3A_0, %arg0 : i32
    %mul3A_1 = arith.constant 256 : i32
    %mul3A_2 = arith.muli %add3A, %mul3A_1 : i32
    "tpu.region"() ({
      %run_scoped3A = tpu.sem_alloc : memref<!tpu.dma_semaphore, #tpu.memory_space<semaphore_mem>>
      %dma_start3A_193 = tpu.memref_slice %arg3[%mul3A_2] : memref<8192xi32, #tpu.memory_space<hbm>> -> memref<256xi32, #tpu.memory_space<hbm>>
      %dma_start3A_194 = tpu.memref_slice %arg3[%mul3A_2] : memref<8192xi32, #tpu.memory_space<hbm>> -> memref<256xi32, #tpu.memory_space<hbm>>
      tpu.enqueue_dma source(%dma_start3A_194 : memref<256xi32, #tpu.memory_space<hbm>>) target(%arg5 : memref<256xi32, #tpu.memory_space<vmem>>) target_semaphore(%run_scoped3A : memref<!tpu.dma_semaphore, #tpu.memory_space<semaphore_mem>>)
      %dma_wait3A_195 = tpu.memref_slice %arg3[%mul3A_2] : memref<8192xi32, #tpu.memory_space<hbm>> -> memref<256xi32, #tpu.memory_space<hbm>>
      %dma_wait3A_196 = tpu.memref_slice %arg3[%mul3A_2] : memref<8192xi32, #tpu.memory_space<hbm>> -> memref<256xi32, #tpu.memory_space<hbm>>
      tpu.wait_dma2 semaphore(%run_scoped3A : memref<!tpu.dma_semaphore, #tpu.memory_space<semaphore_mem>>) src(%dma_wait3A_196 : memref<256xi32, #tpu.memory_space<hbm>>) dst(%arg5 : memref<256xi32, #tpu.memory_space<vmem>>)
      tpu.yield
    }) : () -> ()
    %dma_start3A = arith.constant 0 : i32
    %dma_start3A_3 = arith.constant 0 : i32
    %dma_start3A_4 = arith.constant 0 : i32
    %dma_start3A_5 = tpu.memref_slice %arg6[%dma_start3A, %dma_start3A_3, %dma_start3A_4] : memref<2x64x768xf32, #tpu.memory_space<vmem>> -> memref<1x64x768xf32, #tpu.memory_space<vmem>>
    %dma_start3A_6 = tpu.memref_squeeze %dma_start3A_5 : memref<1x64x768xf32, #tpu.memory_space<vmem>> -> memref<64x768xf32, #tpu.memory_space<vmem>>
    %dma_start3A_7 = arith.constant 0 : i32
    %dma_start3A_8 = tpu.memref_slice %arg5[%dma_start3A_7] : memref<256xi32, #tpu.memory_space<vmem>> -> memref<64xi32, #tpu.memory_space<vmem>>
    %dma_start3A_9 = arith.constant 0 : i32
    %dma_start3A_10 = arith.constant 0 : i32
    %dma_start3A_11 = tpu.memref_slice %arg2[%dma_start3A_9, %dma_start3A_10] : memref<9728x768xf32, #tpu.memory_space<hbm>> -> memref<9728x768xf32, #tpu.memory_space<hbm>>
    tpu.enqueue_indirect_dma source(%dma_start3A_11 : memref<9728x768xf32, #tpu.memory_space<hbm>>) target(%dma_start3A_6 : memref<64x768xf32, #tpu.memory_space<vmem>>) offsets(%dma_start3A_8 : memref<64xi32, #tpu.memory_space<vmem>>) semaphore(%arg7 : memref<!tpu.dma_semaphore, #tpu.memory_space<semaphore_mem>>)
    %dma_start3A_12 = arith.constant 1 : i32
    %dma_start3A_13 = arith.constant 0 : i32
    %dma_start3A_14 = arith.constant 0 : i32
    %dma_start3A_15 = tpu.memref_slice %arg6[%dma_start3A_12, %dma_start3A_13, %dma_start3A_14] : memref<2x64x768xf32, #tpu.memory_space<vmem>> -> memref<1x64x768xf32, #tpu.memory_space<vmem>>
    %dma_start3A_16 = tpu.memref_squeeze %dma_start3A_15 : memref<1x64x768xf32, #tpu.memory_space<vmem>> -> memref<64x768xf32, #tpu.memory_space<vmem>>
    %dma_start3A_17 = arith.constant 64 : i32
    %dma_start3A_18 = tpu.memref_slice %arg5[%dma_start3A_17] : memref<256xi32, #tpu.memory_space<vmem>> -> memref<64xi32, #tpu.memory_space<vmem>>
    %dma_start3A_19 = arith.constant 0 : i32
    %dma_start3A_20 = arith.constant 0 : i32
    %dma_start3A_21 = tpu.memref_slice %arg2[%dma_start3A_19, %dma_start3A_20] : memref<9728x768xf32, #tpu.memory_space<hbm>> -> memref<9728x768xf32, #tpu.memory_space<hbm>>
    tpu.enqueue_indirect_dma source(%dma_start3A_21 : memref<9728x768xf32, #tpu.memory_space<hbm>>) target(%dma_start3A_16 : memref<64x768xf32, #tpu.memory_space<vmem>>) offsets(%dma_start3A_18 : memref<64xi32, #tpu.memory_space<vmem>>) semaphore(%arg8 : memref<!tpu.dma_semaphore, #tpu.memory_space<semaphore_mem>>)
    %dma_wait3A = arith.constant 0 : i32
    %dma_wait3A_22 = arith.constant 0 : i32
    %dma_wait3A_23 = arith.constant 0 : i32
    %dma_wait3A_24 = tpu.memref_slice %arg6[%dma_wait3A, %dma_wait3A_22, %dma_wait3A_23] : memref<2x64x768xf32, #tpu.memory_space<vmem>> -> memref<1x64x768xf32, #tpu.memory_space<vmem>>
    %dma_wait3A_25 = tpu.memref_squeeze %dma_wait3A_24 : memref<1x64x768xf32, #tpu.memory_space<vmem>> -> memref<64x768xf32, #tpu.memory_space<vmem>>
    %dma_wait3A_26 = arith.constant 0 : i32
    %dma_wait3A_27 = tpu.memref_slice %arg5[%dma_wait3A_26] : memref<256xi32, #tpu.memory_space<vmem>> -> memref<64xi32, #tpu.memory_space<vmem>>
    %dma_wait3A_28 = arith.constant 0 : i32
    %dma_wait3A_29 = arith.constant 0 : i32
    %dma_wait3A_30 = tpu.memref_slice %arg2[%dma_wait3A_28, %dma_wait3A_29] : memref<9728x768xf32, #tpu.memory_space<hbm>> -> memref<9728x768xf32, #tpu.memory_space<hbm>>
    tpu.wait_indirect_dma semaphore(%arg7 : memref<!tpu.dma_semaphore, #tpu.memory_space<semaphore_mem>>) src(%dma_wait3A_30 : memref<9728x768xf32, #tpu.memory_space<hbm>>) dst(%dma_wait3A_25 : memref<64x768xf32, #tpu.memory_space<vmem>>)
    %add3A_31 = arith.constant 0 : i32
    %add3A_32 = arith.addi %mul3A_2, %add3A_31 : i32
    %dma_start3A_33 = arith.constant 0 : i32
    %dma_start3A_34 = arith.constant 0 : i32
    %dma_start3A_35 = arith.constant 0 : i32
    %dma_start3A_36 = tpu.memref_slice %arg6[%dma_start3A_33, %dma_start3A_34, %dma_start3A_35] : memref<2x64x768xf32, #tpu.memory_space<vmem>> -> memref<1x64x768xf32, #tpu.memory_space<vmem>>
    %dma_start3A_37 = tpu.memref_squeeze %dma_start3A_36 : memref<1x64x768xf32, #tpu.memory_space<vmem>> -> memref<64x768xf32, #tpu.memory_space<vmem>>
    %dma_start3A_38 = arith.constant 0 : i32
    %dma_start3A_39 = tpu.memref_slice %arg4[%add3A_32, %dma_start3A_38] : memref<8192x768xf32, #tpu.memory_space<hbm>> -> memref<64x768xf32, #tpu.memory_space<hbm>>
    %dma_start3A_40 = arith.constant 0 : i32
    %dma_start3A_41 = tpu.memref_slice %arg4[%add3A_32, %dma_start3A_40] : memref<8192x768xf32, #tpu.memory_space<hbm>> -> memref<64x768xf32, #tpu.memory_space<hbm>>
    %dma_start3A_42 = arith.constant 0 : i32
    %dma_start3A_43 = arith.constant 0 : i32
    %dma_start3A_44 = tpu.memref_slice %arg6[%dma_start3A_33, %dma_start3A_42, %dma_start3A_43] : memref<2x64x768xf32, #tpu.memory_space<vmem>> -> memref<1x64x768xf32, #tpu.memory_space<vmem>>
    %dma_start3A_45 = tpu.memref_squeeze %dma_start3A_44 : memref<1x64x768xf32, #tpu.memory_space<vmem>> -> memref<64x768xf32, #tpu.memory_space<vmem>>
    tpu.enqueue_dma source(%dma_start3A_45 : memref<64x768xf32, #tpu.memory_space<vmem>>) target(%dma_start3A_41 : memref<64x768xf32, #tpu.memory_space<hbm>>) target_semaphore(%arg9 : memref<!tpu.dma_semaphore, #tpu.memory_space<semaphore_mem>>)
    %dma_wait3A_46 = arith.constant 0 : i32
    %dma_wait3A_47 = arith.constant 0 : i32
    %dma_wait3A_48 = arith.constant 0 : i32
    %dma_wait3A_49 = tpu.memref_slice %arg6[%dma_wait3A_46, %dma_wait3A_47, %dma_wait3A_48] : memref<2x64x768xf32, #tpu.memory_space<vmem>> -> memref<1x64x768xf32, #tpu.memory_space<vmem>>
    %dma_wait3A_50 = tpu.memref_squeeze %dma_wait3A_49 : memref<1x64x768xf32, #tpu.memory_space<vmem>> -> memref<64x768xf32, #tpu.memory_space<vmem>>
    %dma_wait3A_51 = arith.constant 0 : i32
    %dma_wait3A_52 = tpu.memref_slice %arg4[%add3A_32, %dma_wait3A_51] : memref<8192x768xf32, #tpu.memory_space<hbm>> -> memref<64x768xf32, #tpu.memory_space<hbm>>
    %dma_wait3A_53 = arith.constant 0 : i32
    %dma_wait3A_54 = tpu.memref_slice %arg4[%add3A_32, %dma_wait3A_53] : memref<8192x768xf32, #tpu.memory_space<hbm>> -> memref<64x768xf32, #tpu.memory_space<hbm>>
    %dma_wait3A_55 = arith.constant 0 : i32
    %dma_wait3A_56 = arith.constant 0 : i32
    %dma_wait3A_57 = tpu.memref_slice %arg6[%dma_wait3A_46, %dma_wait3A_55, %dma_wait3A_56] : memref<2x64x768xf32, #tpu.memory_space<vmem>> -> memref<1x64x768xf32, #tpu.memory_space<vmem>>
    %dma_wait3A_58 = tpu.memref_squeeze %dma_wait3A_57 : memref<1x64x768xf32, #tpu.memory_space<vmem>> -> memref<64x768xf32, #tpu.memory_space<vmem>>
    tpu.wait_dma2 semaphore(%arg9 : memref<!tpu.dma_semaphore, #tpu.memory_space<semaphore_mem>>) src(%dma_wait3A_58 : memref<64x768xf32, #tpu.memory_space<vmem>>) dst(%dma_wait3A_54 : memref<64x768xf32, #tpu.memory_space<hbm>>)
    %dma_start3A_59 = arith.constant 0 : i32
    %dma_start3A_60 = arith.constant 0 : i32
    %dma_start3A_61 = arith.constant 0 : i32
    %dma_start3A_62 = tpu.memref_slice %arg6[%dma_start3A_59, %dma_start3A_60, %dma_start3A_61] : memref<2x64x768xf32, #tpu.memory_space<vmem>> -> memref<1x64x768xf32, #tpu.memory_space<vmem>>
    %dma_start3A_63 = tpu.memref_squeeze %dma_start3A_62 : memref<1x64x768xf32, #tpu.memory_space<vmem>> -> memref<64x768xf32, #tpu.memory_space<vmem>>
    %dma_start3A_64 = arith.constant 128 : i32
    %dma_start3A_65 = tpu.memref_slice %arg5[%dma_start3A_64] : memref<256xi32, #tpu.memory_space<vmem>> -> memref<64xi32, #tpu.memory_space<vmem>>
    %dma_start3A_66 = arith.constant 0 : i32
    %dma_start3A_67 = arith.constant 0 : i32
    %dma_start3A_68 = tpu.memref_slice %arg2[%dma_start3A_66, %dma_start3A_67] : memref<9728x768xf32, #tpu.memory_space<hbm>> -> memref<9728x768xf32, #tpu.memory_space<hbm>>
    tpu.enqueue_indirect_dma source(%dma_start3A_68 : memref<9728x768xf32, #tpu.memory_space<hbm>>) target(%dma_start3A_63 : memref<64x768xf32, #tpu.memory_space<vmem>>) offsets(%dma_start3A_65 : memref<64xi32, #tpu.memory_space<vmem>>) semaphore(%arg7 : memref<!tpu.dma_semaphore, #tpu.memory_space<semaphore_mem>>)
    %dma_wait3A_69 = arith.constant 1 : i32
    %dma_wait3A_70 = arith.constant 0 : i32
    %dma_wait3A_71 = arith.constant 0 : i32
    %dma_wait3A_72 = tpu.memref_slice %arg6[%dma_wait3A_69, %dma_wait3A_70, %dma_wait3A_71] : memref<2x64x768xf32, #tpu.memory_space<vmem>> -> memref<1x64x768xf32, #tpu.memory_space<vmem>>
    %dma_wait3A_73 = tpu.memref_squeeze %dma_wait3A_72 : memref<1x64x768xf32, #tpu.memory_space<vmem>> -> memref<64x768xf32, #tpu.memory_space<vmem>>
    %dma_wait3A_74 = arith.constant 64 : i32
    %dma_wait3A_75 = tpu.memref_slice %arg5[%dma_wait3A_74] : memref<256xi32, #tpu.memory_space<vmem>> -> memref<64xi32, #tpu.memory_space<vmem>>
    %dma_wait3A_76 = arith.constant 0 : i32
    %dma_wait3A_77 = arith.constant 0 : i32
    %dma_wait3A_78 = tpu.memref_slice %arg2[%dma_wait3A_76, %dma_wait3A_77] : memref<9728x768xf32, #tpu.memory_space<hbm>> -> memref<9728x768xf32, #tpu.memory_space<hbm>>
    tpu.wait_indirect_dma semaphore(%arg8 : memref<!tpu.dma_semaphore, #tpu.memory_space<semaphore_mem>>) src(%dma_wait3A_78 : memref<9728x768xf32, #tpu.memory_space<hbm>>) dst(%dma_wait3A_73 : memref<64x768xf32, #tpu.memory_space<vmem>>)
    %add3A_79 = arith.constant 64 : i32
    %add3A_80 = arith.addi %mul3A_2, %add3A_79 : i32
    %dma_start3A_81 = arith.constant 1 : i32
    %dma_start3A_82 = arith.constant 0 : i32
    %dma_start3A_83 = arith.constant 0 : i32
    %dma_start3A_84 = tpu.memref_slice %arg6[%dma_start3A_81, %dma_start3A_82, %dma_start3A_83] : memref<2x64x768xf32, #tpu.memory_space<vmem>> -> memref<1x64x768xf32, #tpu.memory_space<vmem>>
    %dma_start3A_85 = tpu.memref_squeeze %dma_start3A_84 : memref<1x64x768xf32, #tpu.memory_space<vmem>> -> memref<64x768xf32, #tpu.memory_space<vmem>>
    %dma_start3A_86 = arith.constant 0 : i32
    %dma_start3A_87 = tpu.memref_slice %arg4[%add3A_80, %dma_start3A_86] : memref<8192x768xf32, #tpu.memory_space<hbm>> -> memref<64x768xf32, #tpu.memory_space<hbm>>
    %dma_start3A_88 = arith.constant 0 : i32
    %dma_start3A_89 = tpu.memref_slice %arg4[%add3A_80, %dma_start3A_88] : memref<8192x768xf32, #tpu.memory_space<hbm>> -> memref<64x768xf32, #tpu.memory_space<hbm>>
    %dma_start3A_90 = arith.constant 0 : i32
    %dma_start3A_91 = arith.constant 0 : i32
    %dma_start3A_92 = tpu.memref_slice %arg6[%dma_start3A_81, %dma_start3A_90, %dma_start3A_91] : memref<2x64x768xf32, #tpu.memory_space<vmem>> -> memref<1x64x768xf32, #tpu.memory_space<vmem>>
    %dma_start3A_93 = tpu.memref_squeeze %dma_start3A_92 : memref<1x64x768xf32, #tpu.memory_space<vmem>> -> memref<64x768xf32, #tpu.memory_space<vmem>>
    tpu.enqueue_dma source(%dma_start3A_93 : memref<64x768xf32, #tpu.memory_space<vmem>>) target(%dma_start3A_89 : memref<64x768xf32, #tpu.memory_space<hbm>>) target_semaphore(%arg10 : memref<!tpu.dma_semaphore, #tpu.memory_space<semaphore_mem>>)
    %dma_wait3A_94 = arith.constant 1 : i32
    %dma_wait3A_95 = arith.constant 0 : i32
    %dma_wait3A_96 = arith.constant 0 : i32
    %dma_wait3A_97 = tpu.memref_slice %arg6[%dma_wait3A_94, %dma_wait3A_95, %dma_wait3A_96] : memref<2x64x768xf32, #tpu.memory_space<vmem>> -> memref<1x64x768xf32, #tpu.memory_space<vmem>>
    %dma_wait3A_98 = tpu.memref_squeeze %dma_wait3A_97 : memref<1x64x768xf32, #tpu.memory_space<vmem>> -> memref<64x768xf32, #tpu.memory_space<vmem>>
    %dma_wait3A_99 = arith.constant 0 : i32
    %dma_wait3A_100 = tpu.memref_slice %arg4[%add3A_80, %dma_wait3A_99] : memref<8192x768xf32, #tpu.memory_space<hbm>> -> memref<64x768xf32, #tpu.memory_space<hbm>>
    %dma_wait3A_101 = arith.constant 0 : i32
    %dma_wait3A_102 = tpu.memref_slice %arg4[%add3A_80, %dma_wait3A_101] : memref<8192x768xf32, #tpu.memory_space<hbm>> -> memref<64x768xf32, #tpu.memory_space<hbm>>
    %dma_wait3A_103 = arith.constant 0 : i32
    %dma_wait3A_104 = arith.constant 0 : i32
    %dma_wait3A_105 = tpu.memref_slice %arg6[%dma_wait3A_94, %dma_wait3A_103, %dma_wait3A_104] : memref<2x64x768xf32, #tpu.memory_space<vmem>> -> memref<1x64x768xf32, #tpu.memory_space<vmem>>
    %dma_wait3A_106 = tpu.memref_squeeze %dma_wait3A_105 : memref<1x64x768xf32, #tpu.memory_space<vmem>> -> memref<64x768xf32, #tpu.memory_space<vmem>>
    tpu.wait_dma2 semaphore(%arg10 : memref<!tpu.dma_semaphore, #tpu.memory_space<semaphore_mem>>) src(%dma_wait3A_106 : memref<64x768xf32, #tpu.memory_space<vmem>>) dst(%dma_wait3A_102 : memref<64x768xf32, #tpu.memory_space<hbm>>)
    %dma_start3A_107 = arith.constant 1 : i32
    %dma_start3A_108 = arith.constant 0 : i32
    %dma_start3A_109 = arith.constant 0 : i32
    %dma_start3A_110 = tpu.memref_slice %arg6[%dma_start3A_107, %dma_start3A_108, %dma_start3A_109] : memref<2x64x768xf32, #tpu.memory_space<vmem>> -> memref<1x64x768xf32, #tpu.memory_space<vmem>>
    %dma_start3A_111 = tpu.memref_squeeze %dma_start3A_110 : memref<1x64x768xf32, #tpu.memory_space<vmem>> -> memref<64x768xf32, #tpu.memory_space<vmem>>
    %dma_start3A_112 = arith.constant 192 : i32
    %dma_start3A_113 = tpu.memref_slice %arg5[%dma_start3A_112] : memref<256xi32, #tpu.memory_space<vmem>> -> memref<64xi32, #tpu.memory_space<vmem>>
    %dma_start3A_114 = arith.constant 0 : i32
    %dma_start3A_115 = arith.constant 0 : i32
    %dma_start3A_116 = tpu.memref_slice %arg2[%dma_start3A_114, %dma_start3A_115] : memref<9728x768xf32, #tpu.memory_space<hbm>> -> memref<9728x768xf32, #tpu.memory_space<hbm>>
    tpu.enqueue_indirect_dma source(%dma_start3A_116 : memref<9728x768xf32, #tpu.memory_space<hbm>>) target(%dma_start3A_111 : memref<64x768xf32, #tpu.memory_space<vmem>>) offsets(%dma_start3A_113 : memref<64xi32, #tpu.memory_space<vmem>>) semaphore(%arg8 : memref<!tpu.dma_semaphore, #tpu.memory_space<semaphore_mem>>)
    %dma_wait3A_117 = arith.constant 0 : i32
    %dma_wait3A_118 = arith.constant 0 : i32
    %dma_wait3A_119 = arith.constant 0 : i32
    %dma_wait3A_120 = tpu.memref_slice %arg6[%dma_wait3A_117, %dma_wait3A_118, %dma_wait3A_119] : memref<2x64x768xf32, #tpu.memory_space<vmem>> -> memref<1x64x768xf32, #tpu.memory_space<vmem>>
    %dma_wait3A_121 = tpu.memref_squeeze %dma_wait3A_120 : memref<1x64x768xf32, #tpu.memory_space<vmem>> -> memref<64x768xf32, #tpu.memory_space<vmem>>
    %dma_wait3A_122 = arith.constant 128 : i32
    %dma_wait3A_123 = tpu.memref_slice %arg5[%dma_wait3A_122] : memref<256xi32, #tpu.memory_space<vmem>> -> memref<64xi32, #tpu.memory_space<vmem>>
    %dma_wait3A_124 = arith.constant 0 : i32
    %dma_wait3A_125 = arith.constant 0 : i32
    %dma_wait3A_126 = tpu.memref_slice %arg2[%dma_wait3A_124, %dma_wait3A_125] : memref<9728x768xf32, #tpu.memory_space<hbm>> -> memref<9728x768xf32, #tpu.memory_space<hbm>>
    tpu.wait_indirect_dma semaphore(%arg7 : memref<!tpu.dma_semaphore, #tpu.memory_space<semaphore_mem>>) src(%dma_wait3A_126 : memref<9728x768xf32, #tpu.memory_space<hbm>>) dst(%dma_wait3A_121 : memref<64x768xf32, #tpu.memory_space<vmem>>)
    %add3A_127 = arith.constant 128 : i32
    %add3A_128 = arith.addi %mul3A_2, %add3A_127 : i32
    %dma_start3A_129 = arith.constant 0 : i32
    %dma_start3A_130 = arith.constant 0 : i32
    %dma_start3A_131 = arith.constant 0 : i32
    %dma_start3A_132 = tpu.memref_slice %arg6[%dma_start3A_129, %dma_start3A_130, %dma_start3A_131] : memref<2x64x768xf32, #tpu.memory_space<vmem>> -> memref<1x64x768xf32, #tpu.memory_space<vmem>>
    %dma_start3A_133 = tpu.memref_squeeze %dma_start3A_132 : memref<1x64x768xf32, #tpu.memory_space<vmem>> -> memref<64x768xf32, #tpu.memory_space<vmem>>
    %dma_start3A_134 = arith.constant 0 : i32
    %dma_start3A_135 = tpu.memref_slice %arg4[%add3A_128, %dma_start3A_134] : memref<8192x768xf32, #tpu.memory_space<hbm>> -> memref<64x768xf32, #tpu.memory_space<hbm>>
    %dma_start3A_136 = arith.constant 0 : i32
    %dma_start3A_137 = tpu.memref_slice %arg4[%add3A_128, %dma_start3A_136] : memref<8192x768xf32, #tpu.memory_space<hbm>> -> memref<64x768xf32, #tpu.memory_space<hbm>>
    %dma_start3A_138 = arith.constant 0 : i32
    %dma_start3A_139 = arith.constant 0 : i32
    %dma_start3A_140 = tpu.memref_slice %arg6[%dma_start3A_129, %dma_start3A_138, %dma_start3A_139] : memref<2x64x768xf32, #tpu.memory_space<vmem>> -> memref<1x64x768xf32, #tpu.memory_space<vmem>>
    %dma_start3A_141 = tpu.memref_squeeze %dma_start3A_140 : memref<1x64x768xf32, #tpu.memory_space<vmem>> -> memref<64x768xf32, #tpu.memory_space<vmem>>
    tpu.enqueue_dma source(%dma_start3A_141 : memref<64x768xf32, #tpu.memory_space<vmem>>) target(%dma_start3A_137 : memref<64x768xf32, #tpu.memory_space<hbm>>) target_semaphore(%arg9 : memref<!tpu.dma_semaphore, #tpu.memory_space<semaphore_mem>>)
    %dma_wait3A_142 = arith.constant 1 : i32
    %dma_wait3A_143 = arith.constant 0 : i32
    %dma_wait3A_144 = arith.constant 0 : i32
    %dma_wait3A_145 = tpu.memref_slice %arg6[%dma_wait3A_142, %dma_wait3A_143, %dma_wait3A_144] : memref<2x64x768xf32, #tpu.memory_space<vmem>> -> memref<1x64x768xf32, #tpu.memory_space<vmem>>
    %dma_wait3A_146 = tpu.memref_squeeze %dma_wait3A_145 : memref<1x64x768xf32, #tpu.memory_space<vmem>> -> memref<64x768xf32, #tpu.memory_space<vmem>>
    %dma_wait3A_147 = arith.constant 192 : i32
    %dma_wait3A_148 = tpu.memref_slice %arg5[%dma_wait3A_147] : memref<256xi32, #tpu.memory_space<vmem>> -> memref<64xi32, #tpu.memory_space<vmem>>
    %dma_wait3A_149 = arith.constant 0 : i32
    %dma_wait3A_150 = arith.constant 0 : i32
    %dma_wait3A_151 = tpu.memref_slice %arg2[%dma_wait3A_149, %dma_wait3A_150] : memref<9728x768xf32, #tpu.memory_space<hbm>> -> memref<9728x768xf32, #tpu.memory_space<hbm>>
    tpu.wait_indirect_dma semaphore(%arg8 : memref<!tpu.dma_semaphore, #tpu.memory_space<semaphore_mem>>) src(%dma_wait3A_151 : memref<9728x768xf32, #tpu.memory_space<hbm>>) dst(%dma_wait3A_146 : memref<64x768xf32, #tpu.memory_space<vmem>>)
    %add3A_152 = arith.constant 192 : i32
    %add3A_153 = arith.addi %mul3A_2, %add3A_152 : i32
    %dma_start3A_154 = arith.constant 1 : i32
    %dma_start3A_155 = arith.constant 0 : i32
    %dma_start3A_156 = arith.constant 0 : i32
    %dma_start3A_157 = tpu.memref_slice %arg6[%dma_start3A_154, %dma_start3A_155, %dma_start3A_156] : memref<2x64x768xf32, #tpu.memory_space<vmem>> -> memref<1x64x768xf32, #tpu.memory_space<vmem>>
    %dma_start3A_158 = tpu.memref_squeeze %dma_start3A_157 : memref<1x64x768xf32, #tpu.memory_space<vmem>> -> memref<64x768xf32, #tpu.memory_space<vmem>>
    %dma_start3A_159 = arith.constant 0 : i32
    %dma_start3A_160 = tpu.memref_slice %arg4[%add3A_153, %dma_start3A_159] : memref<8192x768xf32, #tpu.memory_space<hbm>> -> memref<64x768xf32, #tpu.memory_space<hbm>>
    %dma_start3A_161 = arith.constant 0 : i32
    %dma_start3A_162 = tpu.memref_slice %arg4[%add3A_153, %dma_start3A_161] : memref<8192x768xf32, #tpu.memory_space<hbm>> -> memref<64x768xf32, #tpu.memory_space<hbm>>
    %dma_start3A_163 = arith.constant 0 : i32
    %dma_start3A_164 = arith.constant 0 : i32
    %dma_start3A_165 = tpu.memref_slice %arg6[%dma_start3A_154, %dma_start3A_163, %dma_start3A_164] : memref<2x64x768xf32, #tpu.memory_space<vmem>> -> memref<1x64x768xf32, #tpu.memory_space<vmem>>
    %dma_start3A_166 = tpu.memref_squeeze %dma_start3A_165 : memref<1x64x768xf32, #tpu.memory_space<vmem>> -> memref<64x768xf32, #tpu.memory_space<vmem>>
    tpu.enqueue_dma source(%dma_start3A_166 : memref<64x768xf32, #tpu.memory_space<vmem>>) target(%dma_start3A_162 : memref<64x768xf32, #tpu.memory_space<hbm>>) target_semaphore(%arg10 : memref<!tpu.dma_semaphore, #tpu.memory_space<semaphore_mem>>)
    %dma_wait3A_167 = arith.constant 0 : i32
    %dma_wait3A_168 = arith.constant 0 : i32
    %dma_wait3A_169 = arith.constant 0 : i32
    %dma_wait3A_170 = tpu.memref_slice %arg6[%dma_wait3A_167, %dma_wait3A_168, %dma_wait3A_169] : memref<2x64x768xf32, #tpu.memory_space<vmem>> -> memref<1x64x768xf32, #tpu.memory_space<vmem>>
    %dma_wait3A_171 = tpu.memref_squeeze %dma_wait3A_170 : memref<1x64x768xf32, #tpu.memory_space<vmem>> -> memref<64x768xf32, #tpu.memory_space<vmem>>
    %dma_wait3A_172 = arith.constant 0 : i32
    %dma_wait3A_173 = tpu.memref_slice %arg4[%add3A_128, %dma_wait3A_172] : memref<8192x768xf32, #tpu.memory_space<hbm>> -> memref<64x768xf32, #tpu.memory_space<hbm>>
    %dma_wait3A_174 = arith.constant 0 : i32
    %dma_wait3A_175 = tpu.memref_slice %arg4[%add3A_128, %dma_wait3A_174] : memref<8192x768xf32, #tpu.memory_space<hbm>> -> memref<64x768xf32, #tpu.memory_space<hbm>>
    %dma_wait3A_176 = arith.constant 0 : i32
    %dma_wait3A_177 = arith.constant 0 : i32
    %dma_wait3A_178 = tpu.memref_slice %arg6[%dma_wait3A_167, %dma_wait3A_176, %dma_wait3A_177] : memref<2x64x768xf32, #tpu.memory_space<vmem>> -> memref<1x64x768xf32, #tpu.memory_space<vmem>>
    %dma_wait3A_179 = tpu.memref_squeeze %dma_wait3A_178 : memref<1x64x768xf32, #tpu.memory_space<vmem>> -> memref<64x768xf32, #tpu.memory_space<vmem>>
    tpu.wait_dma2 semaphore(%arg9 : memref<!tpu.dma_semaphore, #tpu.memory_space<semaphore_mem>>) src(%dma_wait3A_179 : memref<64x768xf32, #tpu.memory_space<vmem>>) dst(%dma_wait3A_175 : memref<64x768xf32, #tpu.memory_space<hbm>>)
    %dma_wait3A_180 = arith.constant 1 : i32
    %dma_wait3A_181 = arith.constant 0 : i32
    %dma_wait3A_182 = arith.constant 0 : i32
    %dma_wait3A_183 = tpu.memref_slice %arg6[%dma_wait3A_180, %dma_wait3A_181, %dma_wait3A_182] : memref<2x64x768xf32, #tpu.memory_space<vmem>> -> memref<1x64x768xf32, #tpu.memory_space<vmem>>
    %dma_wait3A_184 = tpu.memref_squeeze %dma_wait3A_183 : memref<1x64x768xf32, #tpu.memory_space<vmem>> -> memref<64x768xf32, #tpu.memory_space<vmem>>
    %dma_wait3A_185 = arith.constant 0 : i32
    %dma_wait3A_186 = tpu.memref_slice %arg4[%add3A_153, %dma_wait3A_185] : memref<8192x768xf32, #tpu.memory_space<hbm>> -> memref<64x768xf32, #tpu.memory_space<hbm>>
    %dma_wait3A_187 = arith.constant 0 : i32
    %dma_wait3A_188 = tpu.memref_slice %arg4[%add3A_153, %dma_wait3A_187] : memref<8192x768xf32, #tpu.memory_space<hbm>> -> memref<64x768xf32, #tpu.memory_space<hbm>>
    %dma_wait3A_189 = arith.constant 0 : i32
    %dma_wait3A_190 = arith.constant 0 : i32
    %dma_wait3A_191 = tpu.memref_slice %arg6[%dma_wait3A_180, %dma_wait3A_189, %dma_wait3A_190] : memref<2x64x768xf32, #tpu.memory_space<vmem>> -> memref<1x64x768xf32, #tpu.memory_space<vmem>>
    %dma_wait3A_192 = tpu.memref_squeeze %dma_wait3A_191 : memref<1x64x768xf32, #tpu.memory_space<vmem>> -> memref<64x768xf32, #tpu.memory_space<vmem>>
    tpu.wait_dma2 semaphore(%arg10 : memref<!tpu.dma_semaphore, #tpu.memory_space<semaphore_mem>>) src(%dma_wait3A_192 : memref<64x768xf32, #tpu.memory_space<vmem>>) dst(%dma_wait3A_188 : memref<64x768xf32, #tpu.memory_space<hbm>>)
    return
  }
}

#map = affine_map<(d0, d1) -> (0, 0)>
#map1 = affine_map<(d0, d1) -> (0)>
module attributes {stable_mosaic.version = 14 : i64} {
  func.func @_k3(%arg0: i32, %arg1: i32, %arg2: memref<8192x768xf32, #tpu.memory_space<hbm>>, %arg3: memref<8192xi32, #tpu.memory_space<hbm>>, %arg4: memref<9728x768xf32, #tpu.memory_space<hbm>>, %arg5: memref<8192xi32, #tpu.memory_space<vmem>>, %arg6: memref<9728xi32, #tpu.memory_space<vmem>>, %arg7: memref<64x768xf32, #tpu.memory_space<vmem>>, %arg8: memref<!tpu.dma_semaphore, #tpu.memory_space<semaphore_mem>>) attributes {dimension_semantics = [#tpu.dimension_semantics<core_parallel>, #tpu.dimension_semantics<subcore_parallel>], iteration_bounds = array<i64: 2, 16>, scalar_prefetch = 0 : i64, scratch_operands = 4 : i64, tpu.core_type = #tpu.core_type<sc_vector_subcore>, window_params = [{transform_indices = #map}, {transform_indices = #map1}, {transform_indices = #map}]} {
    "tpu.region"() ({
      %run_scoped3A = tpu.sem_alloc : memref<!tpu.dma_semaphore, #tpu.memory_space<semaphore_mem>>
      tpu.enqueue_dma source(%arg3 : memref<8192xi32, #tpu.memory_space<hbm>>) target(%arg5 : memref<8192xi32, #tpu.memory_space<vmem>>) target_semaphore(%run_scoped3A : memref<!tpu.dma_semaphore, #tpu.memory_space<semaphore_mem>>)
      tpu.wait_dma2 semaphore(%run_scoped3A : memref<!tpu.dma_semaphore, #tpu.memory_space<semaphore_mem>>) src(%arg3 : memref<8192xi32, #tpu.memory_space<hbm>>) dst(%arg5 : memref<8192xi32, #tpu.memory_space<vmem>>)
      tpu.yield
    }) : () -> ()
    %scan3A = arith.constant 0 : i32
    %scan3A_0 = arith.constant 0 : i32
    %scan3A_1 = arith.constant 608 : i32
    %scan3A_2 = arith.addi %scan3A_0, %scan3A_1 : i32
    %scan3A_3 = arith.constant 1 : i32
    scf.for %scan3A_78 = %scan3A_0 to %scan3A_2 step %scan3A_3  : i32 {
      %iota3A = tpu.iota {dimensions = array<i32: 0>} : vector<16xi32>
      %mul3A_79 = arith.constant 16 : i32
      %mul3A_80 = arith.muli %scan3A_78, %mul3A_79 : i32
      %add3A_81 = vector.broadcast %mul3A_80 : i32 to vector<16xi32>
      %add3A_82 = arith.addi %iota3A, %add3A_81 : vector<16xi32>
      %and3A = arith.constant 8191 : i32
      %and3A_83 = vector.broadcast %and3A : i32 to vector<16xi32>
      %and3A_84 = arith.andi %add3A_82, %and3A_83 : vector<16xi32>
      %mul3A_85 = arith.constant 16 : i32
      %mul3A_86 = arith.muli %scan3A_78, %mul3A_85 : i32
      %swap3A = arith.index_cast %mul3A_86 : i32 to index
      %swap3A_87 = tpu.vector_load %arg6[%swap3A] {strides = array<i32>} : memref<9728xi32, #tpu.memory_space<vmem>>, vector<16xi32>,
      tpu.vector_store %arg6[%swap3A], %and3A_84 {strides = array<i32>} : memref<9728xi32, #tpu.memory_space<vmem>>, vector<16xi32>,
    }
    %scan3A_4 = arith.constant 608 : i32
    %scan3A_5 = arith.constant 0 : i32
    %scan3A_6 = arith.constant 0 : i32
    %scan3A_7 = arith.constant 512 : i32
    %scan3A_8 = arith.addi %scan3A_6, %scan3A_7 : i32
    %scan3A_9 = arith.constant 1 : i32
    scf.for %scan3A_78 = %scan3A_6 to %scan3A_8 step %scan3A_9  : i32 {
      %mul3A_79 = arith.constant 16 : i32
      %mul3A_80 = arith.muli %scan3A_78, %mul3A_79 : i32
      %get3A = arith.index_cast %mul3A_80 : i32 to index
      %get3A_81 = tpu.vector_load %arg5[%get3A] {strides = array<i32>} : memref<8192xi32, #tpu.memory_space<vmem>>, vector<16xi32>,
      %iota3A = tpu.iota {dimensions = array<i32: 0>} : vector<16xi32>
      %mul3A_82 = arith.constant 16 : i32
      %mul3A_83 = arith.muli %scan3A_78, %mul3A_82 : i32
      %add3A_84 = vector.broadcast %mul3A_83 : i32 to vector<16xi32>
      %add3A_85 = arith.addi %iota3A, %add3A_84 : vector<16xi32>
      tpu.vector_store_idx %arg6[%get3A_81], %add3A_85 : memref<9728xi32, #tpu.memory_space<vmem>>[vector<16xi32>], vector<16xi32>,
    }
    %scan3A_10 = arith.constant 512 : i32
    %mul3A = arith.constant 2 : i32
    %mul3A_11 = arith.muli %arg1, %mul3A : i32
    %add3A = arith.addi %mul3A_11, %arg0 : i32
    %mul3A_12 = arith.constant 304 : i32
    %mul3A_13 = arith.muli %add3A, %mul3A_12 : i32
    %add3A_14 = arith.constant 0 : i32
    %add3A_15 = arith.addi %mul3A_13, %add3A_14 : i32
    %dma_start3A = tpu.memref_slice %arg6[%add3A_15] : memref<9728xi32, #tpu.memory_space<vmem>> -> memref<64xi32, #tpu.memory_space<vmem>>
    %dma_start3A_16 = arith.constant 0 : i32
    %dma_start3A_17 = arith.constant 0 : i32
    %dma_start3A_18 = tpu.memref_slice %arg2[%dma_start3A_16, %dma_start3A_17] : memref<8192x768xf32, #tpu.memory_space<hbm>> -> memref<8192x768xf32, #tpu.memory_space<hbm>>
    tpu.enqueue_indirect_dma source(%dma_start3A_18 : memref<8192x768xf32, #tpu.memory_space<hbm>>) target(%arg7 : memref<64x768xf32, #tpu.memory_space<vmem>>) offsets(%dma_start3A : memref<64xi32, #tpu.memory_space<vmem>>) semaphore(%arg8 : memref<!tpu.dma_semaphore, #tpu.memory_space<semaphore_mem>>)
    %dma_wait3A = tpu.memref_slice %arg6[%add3A_15] : memref<9728xi32, #tpu.memory_space<vmem>> -> memref<64xi32, #tpu.memory_space<vmem>>
    %dma_wait3A_19 = arith.constant 0 : i32
    %dma_wait3A_20 = arith.constant 0 : i32
    %dma_wait3A_21 = tpu.memref_slice %arg2[%dma_wait3A_19, %dma_wait3A_20] : memref<8192x768xf32, #tpu.memory_space<hbm>> -> memref<8192x768xf32, #tpu.memory_space<hbm>>
    tpu.wait_indirect_dma semaphore(%arg8 : memref<!tpu.dma_semaphore, #tpu.memory_space<semaphore_mem>>) src(%dma_wait3A_21 : memref<8192x768xf32, #tpu.memory_space<hbm>>) dst(%arg7 : memref<64x768xf32, #tpu.memory_space<vmem>>)
    %add3A_22 = arith.constant 0 : i32
    %add3A_23 = arith.addi %mul3A_13, %add3A_22 : i32
    "tpu.region"() ({
      %run_scoped3A = tpu.sem_alloc : memref<!tpu.dma_semaphore, #tpu.memory_space<semaphore_mem>>
      %dma_start3A_78 = arith.constant 0 : i32
      %dma_start3A_79 = tpu.memref_slice %arg4[%add3A_23, %dma_start3A_78] : memref<9728x768xf32, #tpu.memory_space<hbm>> -> memref<64x768xf32, #tpu.memory_space<hbm>>
      %dma_start3A_80 = arith.constant 0 : i32
      %dma_start3A_81 = tpu.memref_slice %arg4[%add3A_23, %dma_start3A_80] : memref<9728x768xf32, #tpu.memory_space<hbm>> -> memref<64x768xf32, #tpu.memory_space<hbm>>
      tpu.enqueue_dma source(%arg7 : memref<64x768xf32, #tpu.memory_space<vmem>>) target(%dma_start3A_81 : memref<64x768xf32, #tpu.memory_space<hbm>>) target_semaphore(%run_scoped3A : memref<!tpu.dma_semaphore, #tpu.memory_space<semaphore_mem>>)
      %dma_wait3A_82 = arith.constant 0 : i32
      %dma_wait3A_83 = tpu.memref_slice %arg4[%add3A_23, %dma_wait3A_82] : memref<9728x768xf32, #tpu.memory_space<hbm>> -> memref<64x768xf32, #tpu.memory_space<hbm>>
      %dma_wait3A_84 = arith.constant 0 : i32
      %dma_wait3A_85 = tpu.memref_slice %arg4[%add3A_23, %dma_wait3A_84] : memref<9728x768xf32, #tpu.memory_space<hbm>> -> memref<64x768xf32, #tpu.memory_space<hbm>>
      tpu.wait_dma2 semaphore(%run_scoped3A : memref<!tpu.dma_semaphore, #tpu.memory_space<semaphore_mem>>) src(%arg7 : memref<64x768xf32, #tpu.memory_space<vmem>>) dst(%dma_wait3A_85 : memref<64x768xf32, #tpu.memory_space<hbm>>)
      tpu.yield
    }) : () -> ()
    %add3A_24 = arith.constant 64 : i32
    %add3A_25 = arith.addi %mul3A_13, %add3A_24 : i32
    %dma_start3A_26 = tpu.memref_slice %arg6[%add3A_25] : memref<9728xi32, #tpu.memory_space<vmem>> -> memref<64xi32, #tpu.memory_space<vmem>>
    %dma_start3A_27 = arith.constant 0 : i32
    %dma_start3A_28 = arith.constant 0 : i32
    %dma_start3A_29 = tpu.memref_slice %arg2[%dma_start3A_27, %dma_start3A_28] : memref<8192x768xf32, #tpu.memory_space<hbm>> -> memref<8192x768xf32, #tpu.memory_space<hbm>>
    tpu.enqueue_indirect_dma source(%dma_start3A_29 : memref<8192x768xf32, #tpu.memory_space<hbm>>) target(%arg7 : memref<64x768xf32, #tpu.memory_space<vmem>>) offsets(%dma_start3A_26 : memref<64xi32, #tpu.memory_space<vmem>>) semaphore(%arg8 : memref<!tpu.dma_semaphore, #tpu.memory_space<semaphore_mem>>)
    %dma_wait3A_30 = tpu.memref_slice %arg6[%add3A_25] : memref<9728xi32, #tpu.memory_space<vmem>> -> memref<64xi32, #tpu.memory_space<vmem>>
    %dma_wait3A_31 = arith.constant 0 : i32
    %dma_wait3A_32 = arith.constant 0 : i32
    %dma_wait3A_33 = tpu.memref_slice %arg2[%dma_wait3A_31, %dma_wait3A_32] : memref<8192x768xf32, #tpu.memory_space<hbm>> -> memref<8192x768xf32, #tpu.memory_space<hbm>>
    tpu.wait_indirect_dma semaphore(%arg8 : memref<!tpu.dma_semaphore, #tpu.memory_space<semaphore_mem>>) src(%dma_wait3A_33 : memref<8192x768xf32, #tpu.memory_space<hbm>>) dst(%arg7 : memref<64x768xf32, #tpu.memory_space<vmem>>)
    %add3A_34 = arith.constant 64 : i32
    %add3A_35 = arith.addi %mul3A_13, %add3A_34 : i32
    "tpu.region"() ({
      %run_scoped3A = tpu.sem_alloc : memref<!tpu.dma_semaphore, #tpu.memory_space<semaphore_mem>>
      %dma_start3A_78 = arith.constant 0 : i32
      %dma_start3A_79 = tpu.memref_slice %arg4[%add3A_35, %dma_start3A_78] : memref<9728x768xf32, #tpu.memory_space<hbm>> -> memref<64x768xf32, #tpu.memory_space<hbm>>
      %dma_start3A_80 = arith.constant 0 : i32
      %dma_start3A_81 = tpu.memref_slice %arg4[%add3A_35, %dma_start3A_80] : memref<9728x768xf32, #tpu.memory_space<hbm>> -> memref<64x768xf32, #tpu.memory_space<hbm>>
      tpu.enqueue_dma source(%arg7 : memref<64x768xf32, #tpu.memory_space<vmem>>) target(%dma_start3A_81 : memref<64x768xf32, #tpu.memory_space<hbm>>) target_semaphore(%run_scoped3A : memref<!tpu.dma_semaphore, #tpu.memory_space<semaphore_mem>>)
      %dma_wait3A_82 = arith.constant 0 : i32
      %dma_wait3A_83 = tpu.memref_slice %arg4[%add3A_35, %dma_wait3A_82] : memref<9728x768xf32, #tpu.memory_space<hbm>> -> memref<64x768xf32, #tpu.memory_space<hbm>>
      %dma_wait3A_84 = arith.constant 0 : i32
      %dma_wait3A_85 = tpu.memref_slice %arg4[%add3A_35, %dma_wait3A_84] : memref<9728x768xf32, #tpu.memory_space<hbm>> -> memref<64x768xf32, #tpu.memory_space<hbm>>
      tpu.wait_dma2 semaphore(%run_scoped3A : memref<!tpu.dma_semaphore, #tpu.memory_space<semaphore_mem>>) src(%arg7 : memref<64x768xf32, #tpu.memory_space<vmem>>) dst(%dma_wait3A_85 : memref<64x768xf32, #tpu.memory_space<hbm>>)
      tpu.yield
    }) : () -> ()
    %add3A_36 = arith.constant 128 : i32
    %add3A_37 = arith.addi %mul3A_13, %add3A_36 : i32
    %dma_start3A_38 = tpu.memref_slice %arg6[%add3A_37] : memref<9728xi32, #tpu.memory_space<vmem>> -> memref<64xi32, #tpu.memory_space<vmem>>
    %dma_start3A_39 = arith.constant 0 : i32
    %dma_start3A_40 = arith.constant 0 : i32
    %dma_start3A_41 = tpu.memref_slice %arg2[%dma_start3A_39, %dma_start3A_40] : memref<8192x768xf32, #tpu.memory_space<hbm>> -> memref<8192x768xf32, #tpu.memory_space<hbm>>
    tpu.enqueue_indirect_dma source(%dma_start3A_41 : memref<8192x768xf32, #tpu.memory_space<hbm>>) target(%arg7 : memref<64x768xf32, #tpu.memory_space<vmem>>) offsets(%dma_start3A_38 : memref<64xi32, #tpu.memory_space<vmem>>) semaphore(%arg8 : memref<!tpu.dma_semaphore, #tpu.memory_space<semaphore_mem>>)
    %dma_wait3A_42 = tpu.memref_slice %arg6[%add3A_37] : memref<9728xi32, #tpu.memory_space<vmem>> -> memref<64xi32, #tpu.memory_space<vmem>>
    %dma_wait3A_43 = arith.constant 0 : i32
    %dma_wait3A_44 = arith.constant 0 : i32
    %dma_wait3A_45 = tpu.memref_slice %arg2[%dma_wait3A_43, %dma_wait3A_44] : memref<8192x768xf32, #tpu.memory_space<hbm>> -> memref<8192x768xf32, #tpu.memory_space<hbm>>
    tpu.wait_indirect_dma semaphore(%arg8 : memref<!tpu.dma_semaphore, #tpu.memory_space<semaphore_mem>>) src(%dma_wait3A_45 : memref<8192x768xf32, #tpu.memory_space<hbm>>) dst(%arg7 : memref<64x768xf32, #tpu.memory_space<vmem>>)
    %add3A_46 = arith.constant 128 : i32
    %add3A_47 = arith.addi %mul3A_13, %add3A_46 : i32
    "tpu.region"() ({
      %run_scoped3A = tpu.sem_alloc : memref<!tpu.dma_semaphore, #tpu.memory_space<semaphore_mem>>
      %dma_start3A_78 = arith.constant 0 : i32
      %dma_start3A_79 = tpu.memref_slice %arg4[%add3A_47, %dma_start3A_78] : memref<9728x768xf32, #tpu.memory_space<hbm>> -> memref<64x768xf32, #tpu.memory_space<hbm>>
      %dma_start3A_80 = arith.constant 0 : i32
      %dma_start3A_81 = tpu.memref_slice %arg4[%add3A_47, %dma_start3A_80] : memref<9728x768xf32, #tpu.memory_space<hbm>> -> memref<64x768xf32, #tpu.memory_space<hbm>>
      tpu.enqueue_dma source(%arg7 : memref<64x768xf32, #tpu.memory_space<vmem>>) target(%dma_start3A_81 : memref<64x768xf32, #tpu.memory_space<hbm>>) target_semaphore(%run_scoped3A : memref<!tpu.dma_semaphore, #tpu.memory_space<semaphore_mem>>)
      %dma_wait3A_82 = arith.constant 0 : i32
      %dma_wait3A_83 = tpu.memref_slice %arg4[%add3A_47, %dma_wait3A_82] : memref<9728x768xf32, #tpu.memory_space<hbm>> -> memref<64x768xf32, #tpu.memory_space<hbm>>
      %dma_wait3A_84 = arith.constant 0 : i32
      %dma_wait3A_85 = tpu.memref_slice %arg4[%add3A_47, %dma_wait3A_84] : memref<9728x768xf32, #tpu.memory_space<hbm>> -> memref<64x768xf32, #tpu.memory_space<hbm>>
      tpu.wait_dma2 semaphore(%run_scoped3A : memref<!tpu.dma_semaphore, #tpu.memory_space<semaphore_mem>>) src(%arg7 : memref<64x768xf32, #tpu.memory_space<vmem>>) dst(%dma_wait3A_85 : memref<64x768xf32, #tpu.memory_space<hbm>>)
      tpu.yield
    }) : () -> ()
    %add3A_48 = arith.constant 192 : i32
    %add3A_49 = arith.addi %mul3A_13, %add3A_48 : i32
    %dma_start3A_50 = tpu.memref_slice %arg6[%add3A_49] : memref<9728xi32, #tpu.memory_space<vmem>> -> memref<64xi32, #tpu.memory_space<vmem>>
    %dma_start3A_51 = arith.constant 0 : i32
    %dma_start3A_52 = arith.constant 0 : i32
    %dma_start3A_53 = tpu.memref_slice %arg2[%dma_start3A_51, %dma_start3A_52] : memref<8192x768xf32, #tpu.memory_space<hbm>> -> memref<8192x768xf32, #tpu.memory_space<hbm>>
    tpu.enqueue_indirect_dma source(%dma_start3A_53 : memref<8192x768xf32, #tpu.memory_space<hbm>>) target(%arg7 : memref<64x768xf32, #tpu.memory_space<vmem>>) offsets(%dma_start3A_50 : memref<64xi32, #tpu.memory_space<vmem>>) semaphore(%arg8 : memref<!tpu.dma_semaphore, #tpu.memory_space<semaphore_mem>>)
    %dma_wait3A_54 = tpu.memref_slice %arg6[%add3A_49] : memref<9728xi32, #tpu.memory_space<vmem>> -> memref<64xi32, #tpu.memory_space<vmem>>
    %dma_wait3A_55 = arith.constant 0 : i32
    %dma_wait3A_56 = arith.constant 0 : i32
    %dma_wait3A_57 = tpu.memref_slice %arg2[%dma_wait3A_55, %dma_wait3A_56] : memref<8192x768xf32, #tpu.memory_space<hbm>> -> memref<8192x768xf32, #tpu.memory_space<hbm>>
    tpu.wait_indirect_dma semaphore(%arg8 : memref<!tpu.dma_semaphore, #tpu.memory_space<semaphore_mem>>) src(%dma_wait3A_57 : memref<8192x768xf32, #tpu.memory_space<hbm>>) dst(%arg7 : memref<64x768xf32, #tpu.memory_space<vmem>>)
    %add3A_58 = arith.constant 192 : i32
    %add3A_59 = arith.addi %mul3A_13, %add3A_58 : i32
    "tpu.region"() ({
      %run_scoped3A = tpu.sem_alloc : memref<!tpu.dma_semaphore, #tpu.memory_space<semaphore_mem>>
      %dma_start3A_78 = arith.constant 0 : i32
      %dma_start3A_79 = tpu.memref_slice %arg4[%add3A_59, %dma_start3A_78] : memref<9728x768xf32, #tpu.memory_space<hbm>> -> memref<64x768xf32, #tpu.memory_space<hbm>>
      %dma_start3A_80 = arith.constant 0 : i32
      %dma_start3A_81 = tpu.memref_slice %arg4[%add3A_59, %dma_start3A_80] : memref<9728x768xf32, #tpu.memory_space<hbm>> -> memref<64x768xf32, #tpu.memory_space<hbm>>
      tpu.enqueue_dma source(%arg7 : memref<64x768xf32, #tpu.memory_space<vmem>>) target(%dma_start3A_81 : memref<64x768xf32, #tpu.memory_space<hbm>>) target_semaphore(%run_scoped3A : memref<!tpu.dma_semaphore, #tpu.memory_space<semaphore_mem>>)
      %dma_wait3A_82 = arith.constant 0 : i32
      %dma_wait3A_83 = tpu.memref_slice %arg4[%add3A_59, %dma_wait3A_82] : memref<9728x768xf32, #tpu.memory_space<hbm>> -> memref<64x768xf32, #tpu.memory_space<hbm>>
      %dma_wait3A_84 = arith.constant 0 : i32
      %dma_wait3A_85 = tpu.memref_slice %arg4[%add3A_59, %dma_wait3A_84] : memref<9728x768xf32, #tpu.memory_space<hbm>> -> memref<64x768xf32, #tpu.memory_space<hbm>>
      tpu.wait_dma2 semaphore(%run_scoped3A : memref<!tpu.dma_semaphore, #tpu.memory_space<semaphore_mem>>) src(%arg7 : memref<64x768xf32, #tpu.memory_space<vmem>>) dst(%dma_wait3A_85 : memref<64x768xf32, #tpu.memory_space<hbm>>)
      tpu.yield
    }) : () -> ()
    %add3A_60 = arith.constant 256 : i32
    %add3A_61 = arith.addi %mul3A_13, %add3A_60 : i32
    %dma_start3A_62 = arith.constant 0 : i32
    %dma_start3A_63 = arith.constant 0 : i32
    %dma_start3A_64 = tpu.memref_slice %arg7[%dma_start3A_62, %dma_start3A_63] : memref<64x768xf32, #tpu.memory_space<vmem>> -> memref<48x768xf32, #tpu.memory_space<vmem>>
    %dma_start3A_65 = tpu.memref_slice %arg6[%add3A_61] : memref<9728xi32, #tpu.memory_space<vmem>> -> memref<48xi32, #tpu.memory_space<vmem>>
    %dma_start3A_66 = arith.constant 0 : i32
    %dma_start3A_67 = arith.constant 0 : i32
    %dma_start3A_68 = tpu.memref_slice %arg2[%dma_start3A_66, %dma_start3A_67] : memref<8192x768xf32, #tpu.memory_space<hbm>> -> memref<8192x768xf32, #tpu.memory_space<hbm>>
    tpu.enqueue_indirect_dma source(%dma_start3A_68 : memref<8192x768xf32, #tpu.memory_space<hbm>>) target(%dma_start3A_64 : memref<48x768xf32, #tpu.memory_space<vmem>>) offsets(%dma_start3A_65 : memref<48xi32, #tpu.memory_space<vmem>>) semaphore(%arg8 : memref<!tpu.dma_semaphore, #tpu.memory_space<semaphore_mem>>)
    %dma_wait3A_69 = arith.constant 0 : i32
    %dma_wait3A_70 = arith.constant 0 : i32
    %dma_wait3A_71 = tpu.memref_slice %arg7[%dma_wait3A_69, %dma_wait3A_70] : memref<64x768xf32, #tpu.memory_space<vmem>> -> memref<48x768xf32, #tpu.memory_space<vmem>>
    %dma_wait3A_72 = tpu.memref_slice %arg6[%add3A_61] : memref<9728xi32, #tpu.memory_space<vmem>> -> memref<48xi32, #tpu.memory_space<vmem>>
    %dma_wait3A_73 = arith.constant 0 : i32
    %dma_wait3A_74 = arith.constant 0 : i32
    %dma_wait3A_75 = tpu.memref_slice %arg2[%dma_wait3A_73, %dma_wait3A_74] : memref<8192x768xf32, #tpu.memory_space<hbm>> -> memref<8192x768xf32, #tpu.memory_space<hbm>>
    tpu.wait_indirect_dma semaphore(%arg8 : memref<!tpu.dma_semaphore, #tpu.memory_space<semaphore_mem>>) src(%dma_wait3A_75 : memref<8192x768xf32, #tpu.memory_space<hbm>>) dst(%dma_wait3A_71 : memref<48x768xf32, #tpu.memory_space<vmem>>)
    %add3A_76 = arith.constant 256 : i32
    %add3A_77 = arith.addi %mul3A_13, %add3A_76 : i32
    "tpu.region"() ({
      %run_scoped3A = tpu.sem_alloc : memref<!tpu.dma_semaphore, #tpu.memory_space<semaphore_mem>>
      %dma_start3A_78 = arith.constant 0 : i32
      %dma_start3A_79 = arith.constant 0 : i32
      %dma_start3A_80 = tpu.memref_slice %arg7[%dma_start3A_78, %dma_start3A_79] : memref<64x768xf32, #tpu.memory_space<vmem>> -> memref<48x768xf32, #tpu.memory_space<vmem>>
      %dma_start3A_81 = arith.constant 0 : i32
      %dma_start3A_82 = tpu.memref_slice %arg4[%add3A_77, %dma_start3A_81] : memref<9728x768xf32, #tpu.memory_space<hbm>> -> memref<48x768xf32, #tpu.memory_space<hbm>>
      %dma_start3A_83 = arith.constant 0 : i32
      %dma_start3A_84 = tpu.memref_slice %arg4[%add3A_77, %dma_start3A_83] : memref<9728x768xf32, #tpu.memory_space<hbm>> -> memref<48x768xf32, #tpu.memory_space<hbm>>
      %dma_start3A_85 = arith.constant 0 : i32
      %dma_start3A_86 = arith.constant 0 : i32
      %dma_start3A_87 = tpu.memref_slice %arg7[%dma_start3A_85, %dma_start3A_86] : memref<64x768xf32, #tpu.memory_space<vmem>> -> memref<48x768xf32, #tpu.memory_space<vmem>>
      tpu.enqueue_dma source(%dma_start3A_87 : memref<48x768xf32, #tpu.memory_space<vmem>>) target(%dma_start3A_84 : memref<48x768xf32, #tpu.memory_space<hbm>>) target_semaphore(%run_scoped3A : memref<!tpu.dma_semaphore, #tpu.memory_space<semaphore_mem>>)
      %dma_wait3A_88 = arith.constant 0 : i32
      %dma_wait3A_89 = arith.constant 0 : i32
      %dma_wait3A_90 = tpu.memref_slice %arg7[%dma_wait3A_88, %dma_wait3A_89] : memref<64x768xf32, #tpu.memory_space<vmem>> -> memref<48x768xf32, #tpu.memory_space<vmem>>
      %dma_wait3A_91 = arith.constant 0 : i32
      %dma_wait3A_92 = tpu.memref_slice %arg4[%add3A_77, %dma_wait3A_91] : memref<9728x768xf32, #tpu.memory_space<hbm>> -> memref<48x768xf32, #tpu.memory_space<hbm>>
      %dma_wait3A_93 = arith.constant 0 : i32
      %dma_wait3A_94 = tpu.memref_slice %arg4[%add3A_77, %dma_wait3A_93] : memref<9728x768xf32, #tpu.memory_space<hbm>> -> memref<48x768xf32, #tpu.memory_space<hbm>>
      %dma_wait3A_95 = arith.constant 0 : i32
      %dma_wait3A_96 = arith.constant 0 : i32
      %dma_wait3A_97 = tpu.memref_slice %arg7[%dma_wait3A_95, %dma_wait3A_96] : memref<64x768xf32, #tpu.memory_space<vmem>> -> memref<48x768xf32, #tpu.memory_space<vmem>>
      tpu.wait_dma2 semaphore(%run_scoped3A : memref<!tpu.dma_semaphore, #tpu.memory_space<semaphore_mem>>) src(%dma_wait3A_97 : memref<48x768xf32, #tpu.memory_space<vmem>>) dst(%dma_wait3A_94 : memref<48x768xf32, #tpu.memory_space<hbm>>)
      tpu.yield
    }) : () -> ()
    return
  }
}

module attributes {stable_mosaic.version = 14 : i64} {
  func.func @_experts_body(%arg0: i32, %arg1: memref<608x768xf32, #tpu.memory_space<vmem>>, %arg2: memref<1x768x768xf32, #tpu.memory_space<vmem>>, %arg3: memref<1x1x768xf32, #tpu.memory_space<vmem>>, %arg4: memref<1x768x768xf32, #tpu.memory_space<vmem>>, %arg5: memref<1x1x768xf32, #tpu.memory_space<vmem>>, %arg6: memref<608x768xf32, #tpu.memory_space<vmem>>) attributes {dimension_semantics = [#tpu.dimension_semantics<arbitrary>], iteration_bounds = array<i64: 16>, scalar_prefetch = 0 : i64, scratch_operands = 0 : i64, tpu.core_type = #tpu.core_type<tc>, window_params = [{transform_indices = @transform_0, window_bounds = array<i64: 608, 768>}, {transform_indices = @transform_1, window_bounds = array<i64: 1, 768, 768>}, {transform_indices = @transform_2, window_bounds = array<i64: 1, 1, 768>}, {transform_indices = @transform_3, window_bounds = array<i64: 1, 768, 768>}, {transform_indices = @transform_4, window_bounds = array<i64: 1, 1, 768>}, {transform_indices = @transform_5, window_bounds = array<i64: 608, 768>}]} {
    %lt3A = arith.constant 15 : i32
    %lt3A_0 = arith.cmpi slt, %arg0, %lt3A : i32
    %convert_element_type3A = arith.extui %lt3A_0 : i1 to i32
    %cond3A = arith.constant 0 : i32
    %cond3A_1 = arith.cmpi ne, %convert_element_type3A, %cond3A : i32
    scf.if %cond3A_1 {
      %get3A = arith.constant 0 : index
      %get3A_6 = arith.constant 0 : index
      %get3A_7 = vector.load %arg1[%get3A, %get3A_6] : memref<608x768xf32, #tpu.memory_space<vmem>>, vector<608x768xf32>
      %get3A_8 = arith.constant 0 : index
      %get3A_9 = arith.constant 0 : index
      %get3A_10 = arith.constant 0 : index
      %get3A_11 = vector.load %arg2[%get3A_8, %get3A_9, %get3A_10] : memref<1x768x768xf32, #tpu.memory_space<vmem>>, vector<1x768x768xf32>
      %get3A_12 = vector.shape_cast %get3A_11 : vector<1x768x768xf32> to vector<768x768xf32>
      %convert_element_type3A_13 = arith.truncf %get3A_7 : vector<608x768xf32> to vector<608x768xbf16>
      %convert_element_type3A_14 = arith.truncf %get3A_12 : vector<768x768xf32> to vector<768x768xbf16>
      %dot_general3A = arith.constant dense<0.000000e+00> : vector<608x768xf32>
      %dot_general3A_15 = tpu.matmul %convert_element_type3A_13, %convert_element_type3A_14, %dot_general3A {dimension_numbers = #tpu.dot_dimension_numbers<[1], [1], [0], [0], [0, 0, 1, 0], [], []>, transpose_lhs_hint = false} : vector<608x768xbf16>, vector<768x768xbf16>, vector<608x768xf32> -> vector<608x768xf32>
      %get3A_16 = arith.constant 0 : index
      %get3A_17 = arith.constant 0 : index
      %get3A_18 = arith.constant 0 : index
      %get3A_19 = vector.load %arg3[%get3A_16, %get3A_17, %get3A_18] : memref<1x1x768xf32, #tpu.memory_space<vmem>>, vector<1x1x768xf32>
      %get3A_20 = vector.shape_cast %get3A_19 : vector<1x1x768xf32> to vector<1x768xf32>
      %add3A = vector.broadcast %get3A_20 : vector<1x768xf32> to vector<608x768xf32>
      %add3A_21 = arith.addf %dot_general3A_15, %add3A : vector<608x768xf32>
      %max3A = arith.constant 0.000000e+00 : f32
      %max3A_22 = vector.broadcast %max3A : f32 to vector<608x768xf32>
      %max3A_23 = arith.maximumf %add3A_21, %max3A_22 : vector<608x768xf32>
      %get3A_24 = arith.constant 0 : index
      %get3A_25 = arith.constant 0 : index
      %get3A_26 = arith.constant 0 : index
      %get3A_27 = vector.load %arg4[%get3A_24, %get3A_25, %get3A_26] : memref<1x768x768xf32, #tpu.memory_space<vmem>>, vector<1x768x768xf32>
      %get3A_28 = vector.shape_cast %get3A_27 : vector<1x768x768xf32> to vector<768x768xf32>
      %convert_element_type3A_29 = arith.truncf %max3A_23 : vector<608x768xf32> to vector<608x768xbf16>
      %convert_element_type3A_30 = arith.truncf %get3A_28 : vector<768x768xf32> to vector<768x768xbf16>
      %dot_general3A_31 = arith.constant dense<0.000000e+00> : vector<608x768xf32>
      %dot_general3A_32 = tpu.matmul %convert_element_type3A_29, %convert_element_type3A_30, %dot_general3A_31 {dimension_numbers = #tpu.dot_dimension_numbers<[1], [1], [0], [0], [0, 0, 1, 0], [], []>, transpose_lhs_hint = false} : vector<608x768xbf16>, vector<768x768xbf16>, vector<608x768xf32> -> vector<608x768xf32>
      %get3A_33 = arith.constant 0 : index
      %get3A_34 = arith.constant 0 : index
      %get3A_35 = arith.constant 0 : index
      %get3A_36 = vector.load %arg5[%get3A_33, %get3A_34, %get3A_35] : memref<1x1x768xf32, #tpu.memory_space<vmem>>, vector<1x1x768xf32>
      %get3A_37 = vector.shape_cast %get3A_36 : vector<1x1x768xf32> to vector<1x768xf32>
      %add3A_38 = vector.broadcast %get3A_37 : vector<1x768xf32> to vector<608x768xf32>
      %add3A_39 = arith.addf %dot_general3A_32, %add3A_38 : vector<608x768xf32>
      %swap3A = arith.constant 0 : index
      %swap3A_40 = arith.constant 0 : index
      %swap3A_41 = vector.load %arg6[%swap3A, %swap3A_40] : memref<608x768xf32, #tpu.memory_space<vmem>>, vector<608x768xf32>
      tpu.vector_store %arg6[%swap3A, %swap3A_40], %add3A_39 {strides = array<i32>} : memref<608x768xf32, #tpu.memory_space<vmem>>, vector<608x768xf32>,
    } else {
    }
    %eq3A = arith.constant 15 : i32
    %eq3A_2 = arith.cmpi eq, %arg0, %eq3A : i32
    %convert_element_type3A_3 = arith.extui %eq3A_2 : i1 to i32
    %cond3A_4 = arith.constant 0 : i32
    %cond3A_5 = arith.cmpi ne, %convert_element_type3A_3, %cond3A_4 : i32
    scf.if %cond3A_5 {
      %broadcast_in_dim3A = arith.constant 0.000000e+00 : f32
      %broadcast_in_dim3A_6 = vector.broadcast %broadcast_in_dim3A : f32 to vector<608x768xf32>
      %swap3A = arith.constant 0 : index
      %swap3A_7 = arith.constant 0 : index
      %swap3A_8 = vector.load %arg6[%swap3A, %swap3A_7] : memref<608x768xf32, #tpu.memory_space<vmem>>, vector<608x768xf32>
      tpu.vector_store %arg6[%swap3A, %swap3A_7], %broadcast_in_dim3A_6 {strides = array<i32>} : memref<608x768xf32, #tpu.memory_space<vmem>>, vector<608x768xf32>,
    } else {
    }
    return
  }
  func.func @transform_0(%arg0: i32) -> (i32, i32) {
    %c0_i32 = arith.constant 0 : i32
    %c0_i32_0 = arith.constant 0 : i32
    return %arg0, %c0_i32 : i32, i32
  }
  func.func @transform_1(%arg0: i32) -> (i32, i32, i32) {
    %min3A = arith.constant 14 : i32
    %min3A_0 = arith.minsi %arg0, %min3A : i32
    %c0_i32 = arith.constant 0 : i32
    %c0_i32_1 = arith.constant 0 : i32
    %c0_i32_2 = arith.constant 0 : i32
    return %min3A_0, %c0_i32, %c0_i32_1 : i32, i32, i32
  }
  func.func @transform_2(%arg0: i32) -> (i32, i32, i32) {
    %min3A = arith.constant 14 : i32
    %min3A_0 = arith.minsi %arg0, %min3A : i32
    %c0_i32 = arith.constant 0 : i32
    %c0_i32_1 = arith.constant 0 : i32
    %c0_i32_2 = arith.constant 0 : i32
    return %min3A_0, %c0_i32, %c0_i32_1 : i32, i32, i32
  }
  func.func @transform_3(%arg0: i32) -> (i32, i32, i32) {
    %min3A = arith.constant 14 : i32
    %min3A_0 = arith.minsi %arg0, %min3A : i32
    %c0_i32 = arith.constant 0 : i32
    %c0_i32_1 = arith.constant 0 : i32
    %c0_i32_2 = arith.constant 0 : i32
    return %min3A_0, %c0_i32, %c0_i32_1 : i32, i32, i32
  }
  func.func @transform_4(%arg0: i32) -> (i32, i32, i32) {
    %min3A = arith.constant 14 : i32
    %min3A_0 = arith.minsi %arg0, %min3A : i32
    %c0_i32 = arith.constant 0 : i32
    %c0_i32_1 = arith.constant 0 : i32
    %c0_i32_2 = arith.constant 0 : i32
    return %min3A_0, %c0_i32, %c0_i32_1 : i32, i32, i32
  }
  func.func @transform_5(%arg0: i32) -> (i32, i32) {
    %c0_i32 = arith.constant 0 : i32
    %c0_i32_0 = arith.constant 0 : i32
    return %arg0, %c0_i32 : i32, i32
  }
}

module attributes {stable_mosaic.version = 14 : i64} {
  func.func @_router_body(%arg0: i32, %arg1: memref<512x768xf32, #tpu.memory_space<vmem>>, %arg2: memref<15x768xf32, #tpu.memory_space<vmem>>, %arg3: memref<1x15xf32, #tpu.memory_space<vmem>>, %arg4: memref<15x768xf32, #tpu.memory_space<vmem>>, %arg5: memref<1x15xf32, #tpu.memory_space<vmem>>, %arg6: memref<512x15xf32, #tpu.memory_space<vmem>>, %arg7: memref<512x1xi32, #tpu.memory_space<vmem>>, %arg8: memref<1x1xf32, #tpu.memory_space<vmem>>, %arg9: memref<1x128xf32, #tpu.memory_space<vmem>>) attributes {dimension_semantics = [#tpu.dimension_semantics<arbitrary>], iteration_bounds = array<i64: 16>, scalar_prefetch = 0 : i64, scratch_operands = 1 : i64, tpu.core_type = #tpu.core_type<tc>, window_params = [{transform_indices = @transform_0, window_bounds = array<i64: 512, 768>}, {pipeline_mode = #tpu.pipeline_mode<synchronous>, transform_indices = @transform_1, window_bounds = array<i64: 15, 768>}, {pipeline_mode = #tpu.pipeline_mode<synchronous>, transform_indices = @transform_2, window_bounds = array<i64: 1, 15>}, {pipeline_mode = #tpu.pipeline_mode<synchronous>, transform_indices = @transform_3, window_bounds = array<i64: 15, 768>}, {pipeline_mode = #tpu.pipeline_mode<synchronous>, transform_indices = @transform_4, window_bounds = array<i64: 1, 15>}, {transform_indices = @transform_5, window_bounds = array<i64: 512, 15>}, {transform_indices = @transform_6, window_bounds = array<i64: 512, 1>}, {pipeline_mode = #tpu.pipeline_mode<synchronous>, transform_indices = @transform_7, window_bounds = array<i64: 1, 1>}]} {
    %eq3A = arith.constant 0 : i32
    %eq3A_0 = arith.cmpi eq, %arg0, %eq3A : i32
    %convert_element_type3A = arith.extui %eq3A_0 : i1 to i32
    %cond3A = arith.constant 0 : i32
    %cond3A_1 = arith.cmpi ne, %convert_element_type3A, %cond3A : i32
    scf.if %cond3A_1 {
      %broadcast_in_dim3A_83 = arith.constant 0.000000e+00 : f32
      %broadcast_in_dim3A_84 = vector.broadcast %broadcast_in_dim3A_83 : f32 to vector<1x128xf32>
      %swap3A_85 = arith.constant 0 : index
      %swap3A_86 = arith.constant 0 : index
      %swap3A_87 = vector.load %arg9[%swap3A_85, %swap3A_86] : memref<1x128xf32, #tpu.memory_space<vmem>>, vector<1x128xf32>
      tpu.vector_store %arg9[%swap3A_85, %swap3A_86], %broadcast_in_dim3A_84 {strides = array<i32>} : memref<1x128xf32, #tpu.memory_space<vmem>>, vector<1x128xf32>,
    } else {
    }
    %get3A = arith.constant 0 : index
    %get3A_2 = arith.constant 0 : index
    %get3A_3 = vector.load %arg1[%get3A, %get3A_2] : memref<512x768xf32, #tpu.memory_space<vmem>>, vector<512x768xf32>
    %get3A_4 = arith.constant 0 : index
    %get3A_5 = arith.constant 0 : index
    %get3A_6 = vector.load %arg2[%get3A_4, %get3A_5] : memref<15x768xf32, #tpu.memory_space<vmem>>, vector<15x768xf32>
    %dot_general3A = arith.constant dense<0.000000e+00> : vector<512x15xf32>
    %dot_general3A_7 = tpu.matmul %get3A_3, %get3A_6, %dot_general3A {dimension_numbers = #tpu.dot_dimension_numbers<[1], [1], [0], [0], [0, 0, 1, 0], [], []>, transpose_lhs_hint = false} : vector<512x768xf32>, vector<15x768xf32>, vector<512x15xf32> -> vector<512x15xf32>
    %get3A_8 = arith.constant 0 : index
    %get3A_9 = arith.constant 0 : index
    %get3A_10 = vector.load %arg3[%get3A_8, %get3A_9] : memref<1x15xf32, #tpu.memory_space<vmem>>, vector<1x15xf32>
    %add3A = vector.broadcast %get3A_10 : vector<1x15xf32> to vector<512x15xf32>
    %add3A_11 = arith.addf %dot_general3A_7, %add3A : vector<512x15xf32>
    %get3A_12 = arith.constant 0 : index
    %get3A_13 = arith.constant 0 : index
    %get3A_14 = vector.load %arg4[%get3A_12, %get3A_13] : memref<15x768xf32, #tpu.memory_space<vmem>>, vector<15x768xf32>
    %dot_general3A_15 = arith.constant dense<0.000000e+00> : vector<512x15xf32>
    %dot_general3A_16 = tpu.matmul %get3A_3, %get3A_14, %dot_general3A_15 {dimension_numbers = #tpu.dot_dimension_numbers<[1], [1], [0], [0], [0, 0, 1, 0], [], []>, transpose_lhs_hint = false} : vector<512x768xf32>, vector<15x768xf32>, vector<512x15xf32> -> vector<512x15xf32>
    %get3A_17 = arith.constant 0 : index
    %get3A_18 = arith.constant 0 : index
    %get3A_19 = vector.load %arg5[%get3A_17, %get3A_18] : memref<1x15xf32, #tpu.memory_space<vmem>>, vector<1x15xf32>
    %add3A_20 = vector.broadcast %get3A_19 : vector<1x15xf32> to vector<512x15xf32>
    %add3A_21 = arith.addf %dot_general3A_16, %add3A_20 : vector<512x15xf32>
    %get3A_22 = arith.constant 0 : index
    %get3A_23 = arith.constant 0 : index
    %get3A_24 = vector.load %arg6[%get3A_22, %get3A_23] : memref<512x15xf32, #tpu.memory_space<vmem>>, vector<512x15xf32>
    %custom_jvp_call3A = arith.constant 0.000000e+00 : f32
    %max3A = vector.broadcast %custom_jvp_call3A : f32 to vector<512x15xf32>
    %max3A_25 = arith.maximumf %add3A_21, %max3A : vector<512x15xf32>
    %sub3A = vector.broadcast %custom_jvp_call3A : f32 to vector<512x15xf32>
    %sub3A_26 = arith.subf %add3A_21, %sub3A : vector<512x15xf32>
    %ne3A = arith.cmpf one, %sub3A_26, %sub3A_26 : vector<512x15xf32>
    %add3A_27 = vector.broadcast %custom_jvp_call3A : f32 to vector<512x15xf32>
    %add3A_28 = arith.addf %add3A_21, %add3A_27 : vector<512x15xf32>
    %abs3A = math.absf %sub3A_26 : vector<512x15xf32>
    %neg3A = arith.constant 0.000000e+00 : f32
    %neg3A_29 = vector.broadcast %neg3A : f32 to vector<512x15xf32>
    %neg3A_30 = arith.subf %neg3A_29, %abs3A : vector<512x15xf32>
    %exp3A = math.exp %neg3A_30 : vector<512x15xf32>
    %log1p3A = math.log1p %exp3A : vector<512x15xf32>
    %add3A_31 = arith.addf %max3A_25, %log1p3A : vector<512x15xf32>
    %select_n3A = arith.select %ne3A, %add3A_28, %add3A_31 : vector<512x15xi1>, vector<512x15xf32>
    %mul3A = arith.mulf %get3A_24, %select_n3A : vector<512x15xf32>
    %add3A_32 = arith.addf %add3A_11, %mul3A : vector<512x15xf32>
    %reduce_max3A = arith.constant dense<0xFF800000> : vector<512xf32>
    %reduce_max3A_33 = vector.multi_reduction <maximumf>, %add3A_32, %reduce_max3A [1] : vector<512x15xf32> to vector<512xf32>
    %broadcast_in_dim3A = vector.shape_cast %reduce_max3A_33 : vector<512xf32> to vector<512x1xf32>
    %iota3A = tpu.iota {dimensions = array<i32: 1>} : vector<512x15xi32>
    %eq3A_34 = vector.broadcast %broadcast_in_dim3A : vector<512x1xf32> to vector<512x15xf32>
    %eq3A_35 = arith.cmpf oeq, %add3A_32, %eq3A_34 : vector<512x15xf32>
    %jit3A = arith.constant 15 : i32
    %broadcast_in_dim3A_36 = vector.broadcast %jit3A : i32 to vector<512x15xi32>
    %select_n3A_37 = arith.select %eq3A_35, %iota3A, %broadcast_in_dim3A_36 : vector<512x15xi1>, vector<512x15xi32>
    %reduce_min3A = arith.constant dense<2147483647> : vector<512xi32>
    %reduce_min3A_38 = vector.multi_reduction <minsi>, %select_n3A_37, %reduce_min3A [1] : vector<512x15xi32> to vector<512xi32>
    %broadcast_in_dim3A_39 = vector.shape_cast %reduce_min3A_38 : vector<512xi32> to vector<512x1xi32>
    %iota3A_40 = tpu.iota {dimensions = array<i32: 1>} : vector<512x128xi32>
    %eq3A_41 = vector.broadcast %broadcast_in_dim3A_39 : vector<512x1xi32> to vector<512x128xi32>
    %eq3A_42 = arith.cmpi eq, %iota3A_40, %eq3A_41 : vector<512x128xi32>
    %convert_element_type3A_43 = arith.extui %eq3A_42 : vector<512x128xi1> to vector<512x128xi32>
    %convert_element_type3A_44 = arith.sitofp %convert_element_type3A_43 : vector<512x128xi32> to vector<512x128xf32>
    %iota3A_45 = tpu.iota {dimensions = array<i32: 0>} : vector<512x512xi32>
    %iota3A_46 = tpu.iota {dimensions = array<i32: 1>} : vector<512x512xi32>
    %gt3A = arith.cmpi sgt, %iota3A_45, %iota3A_46 : vector<512x512xi32>
    %convert_element_type3A_47 = arith.extui %gt3A : vector<512x512xi1> to vector<512x512xi32>
    %convert_element_type3A_48 = arith.sitofp %convert_element_type3A_47 : vector<512x512xi32> to vector<512x512xf32>
    %dot_general3A_49 = arith.constant dense<0.000000e+00> : vector<512x128xf32>
    %dot_general3A_50 = tpu.matmul %convert_element_type3A_48, %convert_element_type3A_44, %dot_general3A_49 {dimension_numbers = #tpu.dot_dimension_numbers<[1], [0], [0], [1], [0, 0, 1, 1], [], []>, transpose_lhs_hint = false} : vector<512x512xf32>, vector<512x128xf32>, vector<512x128xf32> -> vector<512x128xf32>
    %get3A_51 = arith.constant 0 : index
    %get3A_52 = arith.constant 0 : index
    %get3A_53 = vector.load %arg9[%get3A_51, %get3A_52] : memref<1x128xf32, #tpu.memory_space<vmem>>, vector<1x128xf32>
    %add3A_54 = vector.broadcast %get3A_53 : vector<1x128xf32> to vector<512x128xf32>
    %add3A_55 = arith.addf %dot_general3A_50, %add3A_54 : vector<512x128xf32>
    %mul3A_56 = arith.mulf %convert_element_type3A_44, %add3A_55 : vector<512x128xf32>
    %reduce_sum3A = arith.constant dense<0.000000e+00> : vector<512xf32>
    %reduce_sum3A_57 = vector.multi_reduction <add>, %mul3A_56, %reduce_sum3A [1] : vector<512x128xf32> to vector<512xf32>
    %broadcast_in_dim3A_58 = vector.shape_cast %reduce_sum3A_57 : vector<512xf32> to vector<512x1xf32>
    %reduce_sum3A_59 = arith.constant dense<0.000000e+00> : vector<128xf32>
    %reduce_sum3A_60 = vector.multi_reduction <add>, %convert_element_type3A_44, %reduce_sum3A_59 [0] : vector<512x128xf32> to vector<128xf32>
    %broadcast_in_dim3A_61 = vector.shape_cast %reduce_sum3A_60 : vector<128xf32> to vector<1x128xf32>
    %add3A_62 = arith.addf %get3A_53, %broadcast_in_dim3A_61 : vector<1x128xf32>
    %swap3A = arith.constant 0 : index
    %swap3A_63 = arith.constant 0 : index
    %swap3A_64 = vector.load %arg9[%swap3A, %swap3A_63] : memref<1x128xf32, #tpu.memory_space<vmem>>, vector<1x128xf32>
    tpu.vector_store %arg9[%swap3A, %swap3A_63], %add3A_62 {strides = array<i32>} : memref<1x128xf32, #tpu.memory_space<vmem>>, vector<1x128xf32>,
    %convert_element_type3A_65 = arith.fptosi %broadcast_in_dim3A_58 : vector<512x1xf32> to vector<512x1xi32>
    %lt3A = arith.constant 600 : i32
    %lt3A_66 = vector.broadcast %lt3A : i32 to vector<512x1xi32>
    %lt3A_67 = arith.cmpi slt, %convert_element_type3A_65, %lt3A_66 : vector<512x1xi32>
    %mul3A_68 = arith.constant 608 : i32
    %mul3A_69 = vector.broadcast %mul3A_68 : i32 to vector<512x1xi32>
    %mul3A_70 = arith.muli %broadcast_in_dim3A_39, %mul3A_69 : vector<512x1xi32>
    %add3A_71 = arith.addi %mul3A_70, %convert_element_type3A_65 : vector<512x1xi32>
    %jit3A_72 = arith.constant 9727 : i32
    %broadcast_in_dim3A_73 = vector.broadcast %jit3A_72 : i32 to vector<512x1xi32>
    %select_n3A_74 = arith.select %lt3A_67, %add3A_71, %broadcast_in_dim3A_73 : vector<512x1xi1>, vector<512x1xi32>
    %swap3A_75 = arith.constant 0 : index
    %swap3A_76 = arith.constant 0 : index
    %swap3A_77 = vector.load %arg7[%swap3A_75, %swap3A_76] : memref<512x1xi32, #tpu.memory_space<vmem>>, vector<512x1xi32>
    tpu.vector_store %arg7[%swap3A_75, %swap3A_76], %select_n3A_74 {strides = array<i32>} : memref<512x1xi32, #tpu.memory_space<vmem>>, vector<512x1xi32>,
    %eq3A_78 = arith.constant 15 : i32
    %eq3A_79 = arith.cmpi eq, %arg0, %eq3A_78 : i32
    %convert_element_type3A_80 = arith.extui %eq3A_79 : i1 to i32
    %cond3A_81 = arith.constant 0 : i32
    %cond3A_82 = arith.cmpi ne, %convert_element_type3A_80, %cond3A_81 : i32
    scf.if %cond3A_82 {
      %get3A_83 = arith.constant 0 : index
      %get3A_84 = arith.constant 0 : index
      %get3A_85 = vector.load %arg9[%get3A_83, %get3A_84] : memref<1x128xf32, #tpu.memory_space<vmem>>, vector<1x128xf32>
      %mul3A_86 = arith.constant 1.22070313E-4 : f32
      %mul3A_87 = vector.broadcast %mul3A_86 : f32 to vector<1x128xf32>
      %mul3A_88 = arith.mulf %get3A_85, %mul3A_87 : vector<1x128xf32>
      %mul3A_89 = arith.mulf %mul3A_88, %mul3A_88 : vector<1x128xf32>
      %reduce_sum3A_90 = vector.shape_cast %mul3A_89 : vector<1x128xf32> to vector<1x1x128xf32>
      %reduce_sum3A_91 = arith.constant dense<0.000000e+00> : vector<1xf32>
      %reduce_sum3A_92 = vector.multi_reduction <add>, %reduce_sum3A_90, %reduce_sum3A_91 [1, 2] : vector<1x1x128xf32> to vector<1xf32>
      %reduce_sum3A_93 = vector.shape_cast %reduce_sum3A_92 : vector<1xf32> to vector<1x1x1xf32>
      %reduce_sum3A_94 = vector.extract %reduce_sum3A_93[0, 0, 0] : f32 from vector<1x1x1xf32>
      %broadcast_in_dim3A_95 = vector.broadcast %reduce_sum3A_94 : f32 to vector<1x1xf32>
      %mul3A_96 = arith.constant 1.500000e+01 : f32
      %mul3A_97 = vector.broadcast %mul3A_96 : f32 to vector<1x1xf32>
      %mul3A_98 = arith.mulf %broadcast_in_dim3A_95, %mul3A_97 : vector<1x1xf32>
      %swap3A_99 = arith.constant 0 : index
      %swap3A_100 = arith.constant 0 : index
      %swap3A_101 = vector.load %arg8[%swap3A_99, %swap3A_100] : memref<1x1xf32, #tpu.memory_space<vmem>>, vector<1x1xf32>
      tpu.vector_store %arg8[%swap3A_99, %swap3A_100], %mul3A_98 {strides = array<i32>} : memref<1x1xf32, #tpu.memory_space<vmem>>, vector<1x1xf32>,
    } else {
    }
    return
  }
  func.func @transform_0(%arg0: i32) -> (i32, i32) {
    %c0_i32 = arith.constant 0 : i32
    %c0_i32_0 = arith.constant 0 : i32
    return %arg0, %c0_i32 : i32, i32
  }
  func.func @transform_1(%arg0: i32) -> (i32, i32) {
    %c0_i32 = arith.constant 0 : i32
    %c0_i32_0 = arith.constant 0 : i32
    %c0_i32_1 = arith.constant 0 : i32
    return %c0_i32, %c0_i32_0 : i32, i32
  }
  func.func @transform_2(%arg0: i32) -> (i32, i32) {
    %c0_i32 = arith.constant 0 : i32
    %c0_i32_0 = arith.constant 0 : i32
    %c0_i32_1 = arith.constant 0 : i32
    return %c0_i32, %c0_i32_0 : i32, i32
  }
  func.func @transform_3(%arg0: i32) -> (i32, i32) {
    %c0_i32 = arith.constant 0 : i32
    %c0_i32_0 = arith.constant 0 : i32
    %c0_i32_1 = arith.constant 0 : i32
    return %c0_i32, %c0_i32_0 : i32, i32
  }
  func.func @transform_4(%arg0: i32) -> (i32, i32) {
    %c0_i32 = arith.constant 0 : i32
    %c0_i32_0 = arith.constant 0 : i32
    %c0_i32_1 = arith.constant 0 : i32
    return %c0_i32, %c0_i32_0 : i32, i32
  }
  func.func @transform_5(%arg0: i32) -> (i32, i32) {
    %c0_i32 = arith.constant 0 : i32
    %c0_i32_0 = arith.constant 0 : i32
    return %arg0, %c0_i32 : i32, i32
  }
  func.func @transform_6(%arg0: i32) -> (i32, i32) {
    %c0_i32 = arith.constant 0 : i32
    %c0_i32_0 = arith.constant 0 : i32
    return %arg0, %c0_i32 : i32, i32
  }
  func.func @transform_7(%arg0: i32) -> (i32, i32) {
    %c0_i32 = arith.constant 0 : i32
    %c0_i32_0 = arith.constant 0 : i32
    %c0_i32_1 = arith.constant 0 : i32
    return %c0_i32, %c0_i32_0 : i32, i32
  }
}

module attributes {stable_mosaic.version = 14 : i64} {
  func.func @_shared_body(%arg0: i32, %arg1: memref<1024x768xf32, #tpu.memory_space<vmem>>, %arg2: memref<768x768xf32, #tpu.memory_space<vmem>>, %arg3: memref<1x768xf32, #tpu.memory_space<vmem>>, %arg4: memref<768x768xf32, #tpu.memory_space<vmem>>, %arg5: memref<1x768xf32, #tpu.memory_space<vmem>>, %arg6: memref<1024x768xf32, #tpu.memory_space<vmem>>, %arg7: memref<1024x768xf32, #tpu.memory_space<vmem>>) attributes {dimension_semantics = [#tpu.dimension_semantics<arbitrary>], iteration_bounds = array<i64: 8>, scalar_prefetch = 0 : i64, scratch_operands = 0 : i64, tpu.core_type = #tpu.core_type<tc>, window_params = [{transform_indices = @transform_0, window_bounds = array<i64: 1024, 768>}, {pipeline_mode = #tpu.pipeline_mode<synchronous>, transform_indices = @transform_1, window_bounds = array<i64: 768, 768>}, {pipeline_mode = #tpu.pipeline_mode<synchronous>, transform_indices = @transform_2, window_bounds = array<i64: 1, 768>}, {pipeline_mode = #tpu.pipeline_mode<synchronous>, transform_indices = @transform_3, window_bounds = array<i64: 768, 768>}, {pipeline_mode = #tpu.pipeline_mode<synchronous>, transform_indices = @transform_4, window_bounds = array<i64: 1, 768>}, {transform_indices = @transform_5, window_bounds = array<i64: 1024, 768>}, {transform_indices = @transform_6, window_bounds = array<i64: 1024, 768>}]} {
    %get3A = arith.constant 0 : index
    %get3A_0 = arith.constant 0 : index
    %get3A_1 = vector.load %arg1[%get3A, %get3A_0] : memref<1024x768xf32, #tpu.memory_space<vmem>>, vector<1024x768xf32>
    %get3A_2 = arith.constant 0 : index
    %get3A_3 = arith.constant 0 : index
    %get3A_4 = vector.load %arg2[%get3A_2, %get3A_3] : memref<768x768xf32, #tpu.memory_space<vmem>>, vector<768x768xf32>
    %convert_element_type3A = arith.truncf %get3A_1 : vector<1024x768xf32> to vector<1024x768xbf16>
    %convert_element_type3A_5 = arith.truncf %get3A_4 : vector<768x768xf32> to vector<768x768xbf16>
    %dot_general3A = arith.constant dense<0.000000e+00> : vector<1024x768xf32>
    %dot_general3A_6 = tpu.matmul %convert_element_type3A, %convert_element_type3A_5, %dot_general3A {dimension_numbers = #tpu.dot_dimension_numbers<[1], [1], [0], [0], [0, 0, 1, 0], [], []>, transpose_lhs_hint = false} : vector<1024x768xbf16>, vector<768x768xbf16>, vector<1024x768xf32> -> vector<1024x768xf32>
    %get3A_7 = arith.constant 0 : index
    %get3A_8 = arith.constant 0 : index
    %get3A_9 = vector.load %arg3[%get3A_7, %get3A_8] : memref<1x768xf32, #tpu.memory_space<vmem>>, vector<1x768xf32>
    %add3A = vector.broadcast %get3A_9 : vector<1x768xf32> to vector<1024x768xf32>
    %add3A_10 = arith.addf %dot_general3A_6, %add3A : vector<1024x768xf32>
    %max3A = arith.constant 0.000000e+00 : f32
    %max3A_11 = vector.broadcast %max3A : f32 to vector<1024x768xf32>
    %max3A_12 = arith.maximumf %add3A_10, %max3A_11 : vector<1024x768xf32>
    %get3A_13 = arith.constant 0 : index
    %get3A_14 = arith.constant 0 : index
    %get3A_15 = vector.load %arg4[%get3A_13, %get3A_14] : memref<768x768xf32, #tpu.memory_space<vmem>>, vector<768x768xf32>
    %convert_element_type3A_16 = arith.truncf %max3A_12 : vector<1024x768xf32> to vector<1024x768xbf16>
    %convert_element_type3A_17 = arith.truncf %get3A_15 : vector<768x768xf32> to vector<768x768xbf16>
    %dot_general3A_18 = arith.constant dense<0.000000e+00> : vector<1024x768xf32>
    %dot_general3A_19 = tpu.matmul %convert_element_type3A_16, %convert_element_type3A_17, %dot_general3A_18 {dimension_numbers = #tpu.dot_dimension_numbers<[1], [1], [0], [0], [0, 0, 1, 0], [], []>, transpose_lhs_hint = false} : vector<1024x768xbf16>, vector<768x768xbf16>, vector<1024x768xf32> -> vector<1024x768xf32>
    %get3A_20 = arith.constant 0 : index
    %get3A_21 = arith.constant 0 : index
    %get3A_22 = vector.load %arg5[%get3A_20, %get3A_21] : memref<1x768xf32, #tpu.memory_space<vmem>>, vector<1x768xf32>
    %add3A_23 = vector.broadcast %get3A_22 : vector<1x768xf32> to vector<1024x768xf32>
    %add3A_24 = arith.addf %dot_general3A_19, %add3A_23 : vector<1024x768xf32>
    %get3A_25 = arith.constant 0 : index
    %get3A_26 = arith.constant 0 : index
    %get3A_27 = vector.load %arg6[%get3A_25, %get3A_26] : memref<1024x768xf32, #tpu.memory_space<vmem>>, vector<1024x768xf32>
    %add3A_28 = arith.addf %add3A_24, %get3A_27 : vector<1024x768xf32>
    %swap3A = arith.constant 0 : index
    %swap3A_29 = arith.constant 0 : index
    %swap3A_30 = vector.load %arg7[%swap3A, %swap3A_29] : memref<1024x768xf32, #tpu.memory_space<vmem>>, vector<1024x768xf32>
    tpu.vector_store %arg7[%swap3A, %swap3A_29], %add3A_28 {strides = array<i32>} : memref<1024x768xf32, #tpu.memory_space<vmem>>, vector<1024x768xf32>,
    return
  }
  func.func @transform_0(%arg0: i32) -> (i32, i32) {
    %c0_i32 = arith.constant 0 : i32
    %c0_i32_0 = arith.constant 0 : i32
    return %arg0, %c0_i32 : i32, i32
  }
  func.func @transform_1(%arg0: i32) -> (i32, i32) {
    %c0_i32 = arith.constant 0 : i32
    %c0_i32_0 = arith.constant 0 : i32
    %c0_i32_1 = arith.constant 0 : i32
    return %c0_i32, %c0_i32_0 : i32, i32
  }
  func.func @transform_2(%arg0: i32) -> (i32, i32) {
    %c0_i32 = arith.constant 0 : i32
    %c0_i32_0 = arith.constant 0 : i32
    %c0_i32_1 = arith.constant 0 : i32
    return %c0_i32, %c0_i32_0 : i32, i32
  }
  func.func @transform_3(%arg0: i32) -> (i32, i32) {
    %c0_i32 = arith.constant 0 : i32
    %c0_i32_0 = arith.constant 0 : i32
    %c0_i32_1 = arith.constant 0 : i32
    return %c0_i32, %c0_i32_0 : i32, i32
  }
  func.func @transform_4(%arg0: i32) -> (i32, i32) {
    %c0_i32 = arith.constant 0 : i32
    %c0_i32_0 = arith.constant 0 : i32
    %c0_i32_1 = arith.constant 0 : i32
    return %c0_i32, %c0_i32_0 : i32, i32
  }
  func.func @transform_5(%arg0: i32) -> (i32, i32) {
    %c0_i32 = arith.constant 0 : i32
    %c0_i32_0 = arith.constant 0 : i32
    return %arg0, %c0_i32 : i32, i32
  }
  func.func @transform_6(%arg0: i32) -> (i32, i32) {
    %c0_i32 = arith.constant 0 : i32
    %c0_i32_0 = arith.constant 0 : i32
    return %arg0, %c0_i32 : i32, i32
  }
}

</mosaic_0001>

<sc_bundles>
// kernel: kernel.10.cloned.1.call-start
scs
__scs_entry_jumppad:
0x0: {  	(pc) =	sbr.rel $0x88, $3  }
0x1: {  	(tag) =	ssettag $0x0;
	lr =	simm.s32 $0x1  }
0x2: {  	[smem:$0x3F94] =	sst lr;
	_ =	strace $0xD0000000  }
0x3: {  	_ = 	snop  }
0x4: {  	_ = 	snop  }
0x5: {  	_ = 	snop  }
0x6: {  	_ = 	snop  }
0x7: {  	_ = 	snop  }
__scs_overlays_trampoline_lowered:
0x8: {  	[smem:$0x3FA3] =	sst s0  }
0x9: {  	[smem:$0x3FA4] =	sst s1  }
0xa: {  	[smem:$0x3FA5] =	sst s2  }
0xb: {  	[smem:$0x3FA6] =	sst s3  }
0xc: {  	[smem:$0x3FA7] =	sst s4  }
0xd: {  	[smem:$0x3FA8] =	sst s5  }
0xe: {  	[smem:$0x3FA9] =	sst s6  }
0xf: {  	[smem:$0x3FAA] =	sst s7  }
0x10: {  	[smem:$0x3FAB] =	sst s8  }
0x11: {  	[smem:$0x3FAC] =	sst s9;
	s0 =	simm.s32 @!p0 $0x0  }
0x12: {  	s1 =	sld [smem:$0x3F92];
	s0 =	simm.s32 @p0 $0x1  }
0x13: {  	[smem:$0x3FAD] =	sst s0;
	s0 =	simm.s32 @!p1 $0x0  }
0x14: {  	s2 =	sld [smem:$0x3F91];
	s0 =	simm.s32 @p1 $0x1  }
0x15: {  	[smem:$0x3FAE] =	sst s0;
	s0 =	simm.s32 @!p2 $0x0  }
0x16: {  	s3 =	sld [smem:$0x3FDB];
	s0 =	simm.s32 @p2 $0x1  }
0x17: {  	s4 =	simm.s32 $0x1BF5;
	[smem:$0x3FB0] =	sst s0  }
0x18: {  	s0 =	sld [smem:$0x3F93];
	_ =	swait.ge [sflag:s4], $0x0  }
0x19: {  	s7 =	sld [smem:$0x3F94]  }
0x1a: {  	s8 =	sadd.s32 $0xFFFFE003, lr  }
0x1b: {  	s9 =	sadd.s32 $0xFFFFFEF7, lr;
	s5 =	simm.s32 $0xFFFFFFFF;
	p2 =	slt.u32 s8, $0xFFFFF086  }
0x1c: {  	p1 =	slt.u32 s9, $0xF7A;
	s5 =	simm.s32 @!p2 $0x0  }
0x1d: {  	s5 =	simm.s32 @p1 $0x1;
	p0 =	seq.s32 s7, s2  }
0x1e: {  	s7 =	smul.u32 @!p0 $0xF7A, s2;
	p2 =	seq.s32 @!p0 s5, $0x0  }
0x1f: {  	s9 =	smul.u32 $0xF7A, s1;
	s8 =	simm.s32 @!p0 $0x1BF5;
	p2 =	por !p2, p0  }
0x20: {  	[sflag:s8] =	ssyncset.s32 @!p0 $0xFFFFF086;
	s6 =	sadd.s32 @!p0 s3, s7;
	s7 =	simm.s32 @!p0 $0x108  }
0x21: {  	s3 =	sadd.s32 s3, s9;
	s6 =	sadd.s32 @!p0 $0x88, s6;
	s7 =	simm.s32 @p2 $0x1082  }
0x22: {  	[simem:s7], [sflag:s8] =	dma.local @!p0 [hbm:s6], $0xF7A  }
0x23: {  	s9 =	sor.u32 $0xD0000000, s2;
	s6 =	simm.s32 $0x108;
	_ =	swait.ge @!p0 [sflag:s8], $0x0  }
0x24: {  	s3 =	sadd.s32 $0x88, s3;
	s6 =	simm.s32 @!p1 $0x1082;
	[sflag:s4] =	ssyncset.s32 $0xFFFFF086  }
0x25: {  	[simem:s6], [sflag:s4] =	dma.local [hbm:s3], $0xF7A  }
0x26: {  	[smem:$0x3F94] =	sst s1;
	(tag) =	ssettag s2;
	_ =	strace s9  }
0x27: {  	s1 =	sld [smem:$0x3FA4]  }
0x28: {  	s2 =	sld [smem:$0x3FA5]  }
0x29: {  	s4 =	sld [smem:$0x3FA7]  }
0x2a: {  	p0 =	seq.s32 s5, $0x0;
	s5 =	sld [smem:$0x3FA8]  }
0x2b: {  	s6 =	sld [smem:$0x3FA9]  }
0x2c: {  	s7 =	sld [smem:$0x3FAA]  }
0x2d: {  	s3 =	simm.s32 $0x108;
	s8 =	sld [smem:$0x3FAB]  }
0x2e: {  	s3 =	simm.s32 @!p0 $0x1082;
	s9 =	sld [smem:$0x3FAC]  }
0x2f: {  	lr =	sadd.s32 s0, s3;
	s0 =	sld [smem:$0x3FA3]  }
0x30: {  	s3 =	sld [smem:$0x3FA6]  }
0x31: {  	[smem:$0x3FAF] =	sst s10  }
0x32: {  	s10 =	sld [smem:$0x3FAD];
	_ =	sdelay $0x3  }
0x33: {  	p0 =	seq.s32 s10, $0x1;
	s10 =	sld [smem:$0x3FAF];
	_ =	sdelay $0x3  }
0x34: {  	[smem:$0x3FAF] =	sst s10  }
0x35: {  	s10 =	sld [smem:$0x3FAE];
	_ =	sdelay $0x3  }
0x36: {  	p1 =	seq.s32 s10, $0x1;
	s10 =	sld [smem:$0x3FAF];
	_ =	sdelay $0x3  }
0x37: {  	[smem:$0x3FAF] =	sst s10  }
0x38: {  	s10 =	sld [smem:$0x3FB0]  }
0x39: {  	_ = 	snop;
	(pc) =	sbr.ind lr, $3  }
0x3a: {  	_ = 	snop  }
0x3b: {  	_ = 	snop  }
0x3c: {  	p2 =	seq.s32 s10, $0x1;
	s10 =	sld [smem:$0x3FAF]  }
0x3d: {  	_ =	shalt  }
0x3e: {  	_ =	shalt  }
0x3f: {  	_ =	shalt  }
0x40: {  	_ =	shalt  }
0x41: {  	_ =	shalt  }
0x42: {  	_ =	shalt  }
0x43: {  	_ =	shalt  }
0x44: {  	_ =	shalt  }
0x45: {  	_ =	shalt  }
0x46: {  	_ =	shalt  }
0x47: {  	_ =	shalt  }
0x48: {  	_ =	shalt  }
0x49: {  	_ =	shalt  }
0x4a: {  	_ =	shalt  }
0x4b: {  	_ =	shalt  }
0x4c: {  	_ =	shalt  }
0x4d: {  	_ =	shalt  }
0x4e: {  	_ =	shalt  }
0x4f: {  	_ =	shalt  }
0x50: {  	_ =	shalt  }
0x51: {  	_ =	shalt  }
0x52: {  	_ =	shalt  }
0x53: {  	_ =	shalt  }
0x54: {  	_ =	shalt  }
0x55: {  	_ =	shalt  }
0x56: {  	_ =	shalt  }
0x57: {  	_ =	shalt  }
0x58: {  	_ =	shalt  }
0x59: {  	_ =	shalt  }
0x5a: {  	_ =	shalt  }
0x5b: {  	_ =	shalt  }
0x5c: {  	_ =	shalt  }
0x5d: {  	_ =	shalt  }
0x5e: {  	_ =	shalt  }
0x5f: {  	_ =	shalt  }
0x60: {  	_ =	shalt  }
0x61: {  	_ =	shalt  }
0x62: {  	_ =	shalt  }
0x63: {  	_ =	shalt  }
0x64: {  	_ =	shalt  }
0x65: {  	_ =	shalt  }
0x66: {  	_ =	shalt  }
0x67: {  	_ =	shalt  }
0x68: {  	_ =	shalt  }
0x69: {  	_ =	shalt  }
0x6a: {  	_ =	shalt  }
0x6b: {  	_ =	shalt  }
0x6c: {  	_ =	shalt  }
0x6d: {  	_ =	shalt  }
0x6e: {  	_ =	shalt  }
0x6f: {  	_ =	shalt  }
0x70: {  	_ =	shalt  }
0x71: {  	_ =	shalt  }
0x72: {  	_ =	shalt  }
0x73: {  	_ =	shalt  }
0x74: {  	_ =	shalt  }
0x75: {  	_ =	shalt  }
0x76: {  	_ =	shalt  }
0x77: {  	_ =	shalt  }
0x78: {  	_ =	shalt  }
0x79: {  	_ =	shalt  }
0x7a: {  	_ =	shalt  }
0x7b: {  	_ =	shalt  }
0x7c: {  	_ =	shalt  }
0x7d: {  	_ =	shalt  }
0x7e: {  	_ =	shalt  }
0x7f: {  	_ =	shalt  }
0x80: {  	_ =	shalt  }
0x81: {  	_ =	shalt  }
0x82: {  	_ =	shalt  }
0x83: {  	_ =	shalt  }
0x84: {  	_ =	shalt  }
0x85: {  	_ =	shalt  }
0x86: {  	_ =	shalt  }
0x87: {  	_ =	shalt  }
.Lfunc_end0:
.L_simem_size_0:
called_computation.1_lowered:
.L_overlay_start_0:
0x88: {  	s2 =	sld [smem:$0x3FD9]  }
0x89: {  	s3 =	sld [smem:$0x3FFE];
	_ =	sdelay $0x1  }
0x8a: {  	s1 =	srdreg.scid  }
0x8b: {  	s0 =	sand.u32 $0x1, s1  }
0x8c: {  	s14 =	sshll.u32 s0, $0xA;
	s2 =	sadd.s32 s3, s2  }
0x8d: {  	s2 =	sadd.s32 s2, s14  }
0x8e: {  	[smem:$0x3FBB] =	sst s2  }
0x8f: {  	_ = 	snop  }
0x90: {  	s2 =	sld [smem:$0x3FD0];
	_ =	sdelay $0x2  }
0x91: {  	s15 =	simm.s32 $0xA;
	s4 =	simm.s32 $0x10  }
0x92: {  	[smem:s4], [sflag:s15] =	dma.local [hbm:s2], $0x1  }
0x93: {  	_ =	swait.eq [sflag:s15], $0x1  }
0x94: {  	[sflag:s15] =	ssyncset.done $0x0  }
0x95: {  	[sflag:s15] =	ssyncadd.s32 $0xFFFFFFFF  }
0x96: {  	s16 =	sld [smem:$0x10];
	(tm) =	ssettm $0x1  }
0x97: {  	s17 =	sld [smem:$0x3FFB];
	_ =	sdelay $0x3  }
0x98: {  	_ =	strace s17  }
0x99: {  	s3 =	sld [smem:$0x3FFC];
	_ =	sdelay $0x3  }
0x9a: {  	_ =	strace s3  }
0x9b: {  	s3 =	sld [smem:$0x3FFD];
	_ =	sdelay $0x3  }
0x9c: {  	_ =	strace s3  }
0x9d: {  	_ =	strace $0x8FFFFFFF  }
0x9e: {  	s18 =	sld [smem:$0x3FDB];
	_ =	sdelay $0x1  }
0x9f: {  	s19 =	simm.s32 $_scs_section_size  }
0xa0: {  	s5 =	simm.s32 $_size__tile_overlayer_lowered;
	s6 =	simm.s32 $_tile_overlayer_lowered  }
0xa1: {  	s22 =	simm.s32 $0x1BFF;
	s21 =	sshll.u32 s6, $0x1;
	s3 =	sadd.s32 s19, s18  }
0xa2: {  	s7 =	simm.s32 $0x0;
	s20 =	sshll.u32 s5, $0x1;
	s5 =	sadd.s32 s21, s3  }
0xa3: {  	[timem:s7], [sflag:s22] =	dma.local [hbm:s5], s20  }
0xa4: {  	_ =	swait.ge [sflag:s22], s20  }
0xa5: {  	s4 =	ssub.s32 $0x0, s20;
	[sflag:s22] =	ssyncset.done $0x0  }
0xa6: {  	[sflag:s22] =	ssyncadd.s32 s4;
	_ =	sdelay $0x1  }
0xa7: {  	s23 =	simm.s32 $0x1B8B  }
0xa8: {  	_ =	swait.ge [sflag:s23], $0x1  }
0xa9: {  	[sflag:s23] =	ssyncset.done $0x0  }
0xaa: {  	s25 =	simm.s32 $0x1B8E;
	s24 =	sld [smem:$0x3FFE];
	[sflag:s23] =	ssyncadd.s32 $0xFFFFFFFF  }
0xab: {  	s26 =	simm.s32 $execute0_lowered;
	[smem:$0x3FD2] =	sst s25  }
0xac: {  	s5 =	sshll.u32 s26, $0x1;
	_ =	strace $0x80000049;
	[dreg:$0x1] =	wrdreg $0xFFFFFFFF  }
0xad: {  	s28 =	simm.s32 $_size_execute0_lowered;
	s3 =	sadd.s32 s3, s5;
	[dreg:$0x0] =	wrdreg $0x0  }
0xae: {  	s5 =	sshll.u32 s28, $0x1;
	[dreg:$0x2] =	wrdreg s3  }
0xaf: {  	[dreg:$0x3] =	wrdreg s5  }
0xb0: {  	[dreg:$0x4] =	wrdreg $0xC0  }
0xb1: {  	_ =	task [dreg:s7], $0x5FFFF  }
0xb2: {  	[dreg:$0x1] =	wrdreg $0xFFFFFFFF  }
0xb3: {  	[dreg:$0x0] =	wrdreg $0x60  }
0xb4: {  	[dreg:$0x2] =	wrdreg s24  }
0xb5: {  	[dreg:$0x3] =	wrdreg s16  }
0xb6: {  	[dreg:$0x4] =	wrdreg $0x9  }
0xb7: {  	_ =	task.clear_ibuf [dreg:s7], $0x5FFFF;
	_ =	strace $0x90000049  }
0xb8: {  	s29 =	simm.s32 $0x9;
	_ =	strace $0x8000004B  }
0xb9: {  	_ =	swait.ge [sflag:s29], $0x1  }
0xba: {  	[sflag:s29] =	ssyncadd.s32 $0xFFFFFFFF  }
0xbb: {  	_ =	strace $0x9000004B  }
0xbc: {  	_ =	sfence  }
0xbd: {  	s30 =	sld [smem:$0x0];
	_ =	sdelay $0x2  }
0xbe: {  	s31 =	sshll.u32 s1, $0xD;
	s1 =	sshrl.u32 s1, $0x2  }
0xbf: {  	s3 =	sand.u32 $0x4000, s31;
	s1 =	sadd.s32 s1, s30  }
0xc0: {  	s0 =	sor.u32 s3, s0;
	s1 =	sshll.u32 s1, $0x11  }
0xc1: {  	s0 =	sor.u32 s1, s0  }
0xc2: {  	s0 =	sadd.s32 $0x8F2B, s0  }
0xc3: {  	[sflag:s0] =	ssyncadd.remote.s32 $0x1  }
0xc4: {  	_ =	sfence.sel $0xFFFF  }
0xc5: {  	[dreg:$0x0] =	wrdreg $0xFFFFFFFF;
	(pc) =	sbr.abs _section_cstart, $3  }
0xc6: {  	[dreg:$0x1] =	wrdreg $0xFFFFFFFF  }
0xc7: {  	_ =	task.clear_ibuf [dreg:s7], $0x2FFFF;
	_ =	strace $0x9FFFFFFF  }
0xc8: {  	(tm) =	ssettm $0x7FFFFFFF  }
0xc9: {  	_ =	shalt  }
tec
execute0_lowered:
.L_overlay_start_1:
0x0: {  	(tag) =	ssettag $0x1  }
0x1: {  	s0 =	srdreg.scid  }
0x2: {  	s1 =	rddreg [dreg:$0x0];
	s2 =	stileid.u32  }
0x3: {  	s4 =	rddreg [dreg:$0x1];
	s15 =	simm.s32 $0x900;
	s16 =	simm.s32 $0x1100  }
0x4: {  	s17 =	simm.s32 $0x1900;
	s18 =	simm.s32 $0x2100;
	s19 =	simm.s32 $0x2900  }
0x5: {  	s20 =	simm.s32 $0x3100;
	s21 =	simm.s32 $0x3900;
	s28 =	simm.s32 $0x6900  }
0x6: {  	s29 =	simm.s32 $0x7100;
	s30 =	simm.s32 $0x7900;
	s31 =	simm.s32 $0x8100  }
0x7: {  	s9 =	simm.s32 $0xA100;
	s10 =	simm.s32 $0xB100;
	s11 =	simm.s32 $0xB900  }
0x8: {  	s12 =	simm.s32 $0xC100;
	s13 =	simm.s32 $0x1;
	s0 =	sand.u32 $0x1, s0  }
0x9: {  	s3 =	sshll.u32 s2, $0x6;
	s2 =	simm.s32 $0x0;
	s5 =	sshll.u32 s0, $0x5  }
0xa: {  	s8 =	sadd.s32 $0x1A00, s1;
	[smem:$0x7FF] =	sst s2;
	s5 =	sor.u32 s5, s3  }
0xb: {  	s0 =	ssub.s32 $0x2, s0;
	_ =	strace $0x8000004A;
	s6 =	smul.u32 $0x300, s5  }
0xc: {  	s3 =	sadd.s32 $0xE5A00, s1;
	s24 =	sshrl.u32 s0, $0x1;
	s7 =	smul.u32 $0x1800, s5  }
0xd: {  	s4 =	sadd.s32 s4, s5;
	s0 =	ssub.s32 s0, s24;
	s24 =	simm.s32 $0x5100  }
0xe: {  	[dreg:$0x3] =	wrdreg s4;
	s6 =	sadd.s32 s8, s6;
	s22 =	sshrl.u32 s7, $0x3  }
0xf: {  	[dreg:$0x7] =	wrdreg s6;
	s23 =	sadd.s32 $0x1800, s6;
	s5 =	sadd.s32 s8, s22  }
0x10: {  	s6 =	sadd.s32 $0xE5C00, s1;
	s8 =	smax.u32 s0, $0x1;
	s22 =	simm.s32 $0x4100  }
0x11: {  	v2 =	vlaneseq.u32;
	[dreg:$0x4] =	wrdreg s23;
	s25 =	sadd.s32 $0x3000, s5;
	s26 =	sadd.s32 $0x4800, s5  }
0x12: {  	vm0 =	vmmov $0xffff;
	v1 =	vshrl.u32 v2, $0x3;
	s5 =	sadd.s32 $0xE5B00, s1;
	s23 =	simm.s32 $0x4900;
	[dreg:$0x5] =	wrdreg s25  }
0x13: {  	v0 =	vand.u32 $0x7, v2;
	v2 =	vor.u32 $0x8, v2;
	v1 =	vmul.u32 $0x8, v1;
	[dreg:$0x6] =	wrdreg s26;
	s25 =	simm.s32 $0x5900;
	s26 =	simm.s32 $0x6100  }
.LBB2_1:
0x14: {  	s14 =	rddreg [dreg:$0x3];
	s0 =	simm.s32 $0x5  }
0x15: {  	[tilespmem:s2], [sflag:$0x5] =	stream.linear.gather [hbm4b:s14+s2], $0x100, $0x38;
	[tilespmem:$0x18100] =	vst v63  }
0x16: {  	_ =	swait.ge [sflag:s0], $0x100  }
0x17: {  	[sflag:s0] =	ssyncset.done $0x0  }
0x18: {  	[sflag:s0] =	ssyncadd.s32 $0xFFFFFF00  }
0x19: {  	v3 =	vld [tilespmem:$0x0];
	_ =	sdelay $0x4  }
0x1a: {  	v4 =	vshrl.u32 v3, $0x3  }
0x1b: {  	v4 =	vmul.u32 $0x30, v4  }
0x1c: {  	v3 =	vand.u32 $0x7, v3  }
0x1d: {  	v3 =	vor.u32 v3, v4  }
0x1e: {  	v4 =	vperm.xlane v3, v0;
	_ =	sdelay $0x1  }
0x1f: {  	v4 =	vadd.s32 v1, v4;
	_ =	sdelay $0x3  }
0x20: {  	s1 =	simm.s32 $0x100;
	v3 =	vperm.xlane v3, v2  }
0x21: {  	[tilespmem:s1], [sflag:$0x1] =	stream.indirect_vreg.gather [hbm4b:s3+s2], $0x80, v4, vm0, $0xb8;
	[tilespmem:$0x18100] =	vst v63  }
0x22: {  	v3 =	vadd.s32 v1, v3  }
0x23: {  	[tilespmem:s15], [sflag:$0x1] =	stream.indirect_vreg.gather [hbm4b:s5+s2], $0x80, v4, vm0, $0xb8;
	[tilespmem:$0x18100] =	vst v63  }
0x24: {  	_ = 	snop  }
0x25: {  	[tilespmem:s16], [sflag:$0x1] =	stream.indirect_vreg.gather [hbm4b:s6+s2], $0x80, v4, vm0, $0xb8;
	[tilespmem:$0x18100] =	vst v63  }
0x26: {  	_ = 	snop  }
0x27: {  	[tilespmem:s17], [sflag:$0x1] =	stream.indirect_vreg.gather [hbm4b:s3+s2], $0x80, v3, vm0, $0xb8;
	[tilespmem:$0x18100] =	vst v63  }
0x28: {  	_ = 	snop  }
0x29: {  	[tilespmem:s18], [sflag:$0x1] =	stream.indirect_vreg.gather [hbm4b:s5+s2], $0x80, v3, vm0, $0xb8;
	[tilespmem:$0x18100] =	vst v63  }
0x2a: {  	_ = 	snop  }
0x2b: {  	[tilespmem:s19], [sflag:$0x1] =	stream.indirect_vreg.gather [hbm4b:s6+s2], $0x80, v3, vm0, $0xb8;
	[tilespmem:$0x18100] =	vst v63  }
0x2c: {  	v3 =	vld [tilespmem:$0x10];
	_ =	sdelay $0x4  }
0x2d: {  	v49 =	vshrl.u32 v3, $0x3  }
0x2e: {  	v4 =	vmul.u32 $0x30, v49  }
0x2f: {  	v3 =	vand.u32 $0x7, v3  }
0x30: {  	v3 =	vor.u32 v3, v4  }
0x31: {  	v4 =	vperm.xlane v3, v0;
	_ =	sdelay $0x1  }
0x32: {  	v4 =	vadd.s32 v1, v4;
	_ =	sdelay $0x3  }
0x33: {  	v3 =	vperm.xlane v3, v2  }
0x34: {  	[tilespmem:s20], [sflag:$0x1] =	stream.indirect_vreg.gather [hbm4b:s3+s2], $0x80, v4, vm0, $0xb8;
	[tilespmem:$0x18100] =	vst v63  }
0x35: {  	v3 =	vadd.s32 v1, v3  }
0x36: {  	[tilespmem:s21], [sflag:$0x1] =	stream.indirect_vreg.gather [hbm4b:s5+s2], $0x80, v4, vm0, $0xb8;
	[tilespmem:$0x18100] =	vst v63  }
0x37: {  	_ = 	snop  }
0x38: {  	[tilespmem:s22], [sflag:$0x1] =	stream.indirect_vreg.gather [hbm4b:s6+s2], $0x80, v4, vm0, $0xb8;
	[tilespmem:$0x18100] =	vst v63  }
0x39: {  	_ = 	snop  }
0x3a: {  	[tilespmem:s23], [sflag:$0x1] =	stream.indirect_vreg.gather [hbm4b:s3+s2], $0x80, v3, vm0, $0xb8;
	[tilespmem:$0x18100] =	vst v63  }
0x3b: {  	_ = 	snop  }
0x3c: {  	[tilespmem:s24], [sflag:$0x1] =	stream.indirect_vreg.gather [hbm4b:s5+s2], $0x80, v3, vm0, $0xb8;
	[tilespmem:$0x18100] =	vst v63  }
0x3d: {  	_ = 	snop  }
0x3e: {  	[tilespmem:s25], [sflag:$0x1] =	stream.indirect_vreg.gather [hbm4b:s6+s2], $0x80, v3, vm0, $0xb8;
	[tilespmem:$0x18100] =	vst v63  }
0x3f: {  	v3 =	vld [tilespmem:$0x20];
	_ =	sdelay $0x4  }
0x40: {  	v50 =	vshrl.u32 v3, $0x3  }
0x41: {  	v4 =	vmul.u32 $0x30, v50  }
0x42: {  	v3 =	vand.u32 $0x7, v3  }
0x43: {  	v3 =	vor.u32 v3, v4  }
0x44: {  	v4 =	vperm.xlane v3, v0;
	_ =	sdelay $0x1  }
0x45: {  	v4 =	vadd.s32 v1, v4;
	_ =	sdelay $0x3  }
0x46: {  	v3 =	vperm.xlane v3, v2  }
0x47: {  	[tilespmem:s26], [sflag:$0x1] =	stream.indirect_vreg.gather [hbm4b:s3+s2], $0x80, v4, vm0, $0xb8;
	[tilespmem:$0x18100] =	vst v63  }
0x48: {  	v3 =	vadd.s32 v1, v3  }
0x49: {  	[tilespmem:s28], [sflag:$0x1] =	stream.indirect_vreg.gather [hbm4b:s5+s2], $0x80, v4, vm0, $0xb8;
	[tilespmem:$0x18100] =	vst v63  }
0x4a: {  	_ = 	snop  }
0x4b: {  	[tilespmem:s29], [sflag:$0x1] =	stream.indirect_vreg.gather [hbm4b:s6+s2], $0x80, v4, vm0, $0xb8;
	[tilespmem:$0x18100] =	vst v63  }
0x4c: {  	_ = 	snop  }
0x4d: {  	[tilespmem:s30], [sflag:$0x1] =	stream.indirect_vreg.gather [hbm4b:s3+s2], $0x80, v3, vm0, $0xb8;
	[tilespmem:$0x18100] =	vst v63  }
0x4e: {  	_ = 	snop  }
0x4f: {  	[tilespmem:s31], [sflag:$0x1] =	stream.indirect_vreg.gather [hbm4b:s5+s2], $0x80, v3, vm0, $0xb8;
	[tilespmem:$0x18100] =	vst v63  }
0x50: {  	s1 =	simm.s32 $0x8900  }
0x51: {  	[tilespmem:s1], [sflag:$0x1] =	stream.indirect_vreg.gather [hbm4b:s6+s2], $0x80, v3, vm0, $0xb8;
	[tilespmem:$0x18100] =	vst v63  }
0x52: {  	v3 =	vld [tilespmem:$0x30];
	_ =	sdelay $0x4  }
0x53: {  	v51 =	vshrl.u32 v3, $0x3  }
0x54: {  	v4 =	vmul.u32 $0x30, v51  }
0x55: {  	v3 =	vand.u32 $0x7, v3  }
0x56: {  	v3 =	vor.u32 v3, v4  }
0x57: {  	v4 =	vperm.xlane v3, v0;
	_ =	sdelay $0x1  }
0x58: {  	v4 =	vadd.s32 v1, v4;
	_ =	sdelay $0x3  }
0x59: {  	s4 =	simm.s32 $0x9100;
	v3 =	vperm.xlane v3, v2  }
0x5a: {  	[tilespmem:s4], [sflag:$0x1] =	stream.indirect_vreg.gather [hbm4b:s3+s2], $0x80, v4, vm0, $0xb8;
	[tilespmem:$0x18100] =	vst v63  }
0x5b: {  	s7 =	simm.s32 $0x9900;
	v3 =	vadd.s32 v1, v3  }
0x5c: {  	[tilespmem:s7], [sflag:$0x1] =	stream.indirect_vreg.gather [hbm4b:s5+s2], $0x80, v4, vm0, $0xb8;
	[tilespmem:$0x18100] =	vst v63  }
0x5d: {  	_ = 	snop  }
0x5e: {  	[tilespmem:s9], [sflag:$0x1] =	stream.indirect_vreg.gather [hbm4b:s6+s2], $0x80, v4, vm0, $0xb8;
	[tilespmem:$0x18100] =	vst v63  }
0x5f: {  	s4 =	simm.s32 $0xA900  }
0x60: {  	[tilespmem:s4], [sflag:$0x1] =	stream.indirect_vreg.gather [hbm4b:s3+s2], $0x80, v3, vm0, $0xb8;
	[tilespmem:$0x18100] =	vst v63  }
0x61: {  	_ = 	snop  }
0x62: {  	[tilespmem:s10], [sflag:$0x1] =	stream.indirect_vreg.gather [hbm4b:s5+s2], $0x80, v3, vm0, $0xb8;
	[tilespmem:$0x18100] =	vst v63  }
0x63: {  	_ = 	snop  }
0x64: {  	[tilespmem:s11], [sflag:$0x1] =	stream.indirect_vreg.gather [hbm4b:s6+s2], $0x80, v3, vm0, $0xb8;
	[tilespmem:$0x18100] =	vst v63  }
0x65: {  	v3 =	vld [tilespmem:$0x40];
	_ =	sdelay $0x4  }
0x66: {  	v52 =	vshrl.u32 v3, $0x3  }
0x67: {  	v4 =	vmul.u32 $0x30, v52  }
0x68: {  	v3 =	vand.u32 $0x7, v3  }
0x69: {  	v3 =	vor.u32 v3, v4  }
0x6a: {  	v4 =	vperm.xlane v3, v0;
	_ =	sdelay $0x1  }
0x6b: {  	v4 =	vadd.s32 v1, v4;
	_ =	sdelay $0x3  }
0x6c: {  	v3 =	vperm.xlane v3, v2  }
0x6d: {  	[tilespmem:s12], [sflag:$0x2] =	stream.indirect_vreg.gather [hbm4b:s3+s2], $0x80, v4, vm0, $0xb8;
	[tilespmem:$0x18100] =	vst v63  }
0x6e: {  	s14 =	simm.s32 $0xC900;
	v3 =	vadd.s32 v1, v3  }
0x6f: {  	[tilespmem:s14], [sflag:$0x2] =	stream.indirect_vreg.gather [hbm4b:s5+s2], $0x80, v4, vm0, $0xb8;
	[tilespmem:$0x18100] =	vst v63  }
0x70: {  	s7 =	simm.s32 $0xD100  }
0x71: {  	[tilespmem:s7], [sflag:$0x2] =	stream.indirect_vreg.gather [hbm4b:s6+s2], $0x80, v4, vm0, $0xb8;
	[tilespmem:$0x18100] =	vst v63  }
0x72: {  	s14 =	simm.s32 $0xD900  }
0x73: {  	[tilespmem:s14], [sflag:$0x2] =	stream.indirect_vreg.gather [hbm4b:s3+s2], $0x80, v3, vm0, $0xb8;
	[tilespmem:$0x18100] =	vst v63  }
0x74: {  	s7 =	simm.s32 $0xE100  }
0x75: {  	[tilespmem:s7], [sflag:$0x2] =	stream.indirect_vreg.gather [hbm4b:s5+s2], $0x80, v3, vm0, $0xb8;
	[tilespmem:$0x18100] =	vst v63  }
0x76: {  	s14 =	simm.s32 $0xE900  }
0x77: {  	[tilespmem:s14], [sflag:$0x2] =	stream.indirect_vreg.gather [hbm4b:s6+s2], $0x80, v3, vm0, $0xb8;
	[tilespmem:$0x18100] =	vst v63  }
0x78: {  	v3 =	vld [tilespmem:$0x50];
	_ =	sdelay $0x4  }
0x79: {  	v53 =	vshrl.u32 v3, $0x3  }
0x7a: {  	v4 =	vmul.u32 $0x30, v53  }
0x7b: {  	v3 =	vand.u32 $0x7, v3  }
0x7c: {  	v3 =	vor.u32 v3, v4  }
0x7d: {  	v4 =	vperm.xlane v3, v0;
	_ =	sdelay $0x1  }
0x7e: {  	v4 =	vadd.s32 v1, v4;
	_ =	sdelay $0x3  }
0x7f: {  	s7 =	simm.s32 $0xF100;
	v3 =	vperm.xlane v3, v2  }
0x80: {  	[tilespmem:s7], [sflag:$0x2] =	stream.indirect_vreg.gather [hbm4b:s3+s2], $0x80, v4, vm0, $0xb8;
	[tilespmem:$0x18100] =	vst v63  }
0x81: {  	s14 =	simm.s32 $0xF900;
	v3 =	vadd.s32 v1, v3  }
0x82: {  	[tilespmem:s14], [sflag:$0x2] =	stream.indirect_vreg.gather [hbm4b:s5+s2], $0x80, v4, vm0, $0xb8;
	[tilespmem:$0x18100] =	vst v63  }
0x83: {  	s7 =	simm.s32 $0x10100  }
0x84: {  	[tilespmem:s7], [sflag:$0x2] =	stream.indirect_vreg.gather [hbm4b:s6+s2], $0x80, v4, vm0, $0xb8;
	[tilespmem:$0x18100] =	vst v63  }
0x85: {  	s14 =	simm.s32 $0x10900  }
0x86: {  	[tilespmem:s14], [sflag:$0x2] =	stream.indirect_vreg.gather [hbm4b:s3+s2], $0x80, v3, vm0, $0xb8;
	[tilespmem:$0x18100] =	vst v63  }
0x87: {  	s7 =	simm.s32 $0x11100  }
0x88: {  	[tilespmem:s7], [sflag:$0x2] =	stream.indirect_vreg.gather [hbm4b:s5+s2], $0x80, v3, vm0, $0xb8;
	[tilespmem:$0x18100] =	vst v63  }
0x89: {  	s14 =	simm.s32 $0x11900  }
0x8a: {  	[tilespmem:s14], [sflag:$0x2] =	stream.indirect_vreg.gather [hbm4b:s6+s2], $0x80, v3, vm0, $0xb8;
	[tilespmem:$0x18100] =	vst v63  }
0x8b: {  	v3 =	vld [tilespmem:$0x60];
	_ =	sdelay $0x4  }
0x8c: {  	v54 =	vshrl.u32 v3, $0x3  }
0x8d: {  	v4 =	vmul.u32 $0x30, v54  }
0x8e: {  	v3 =	vand.u32 $0x7, v3  }
0x8f: {  	v3 =	vor.u32 v3, v4  }
0x90: {  	v4 =	vperm.xlane v3, v0;
	_ =	sdelay $0x1  }
0x91: {  	v4 =	vadd.s32 v1, v4;
	_ =	sdelay $0x3  }
0x92: {  	s7 =	simm.s32 $0x12100;
	v3 =	vperm.xlane v3, v2  }
0x93: {  	[tilespmem:s7], [sflag:$0x2] =	stream.indirect_vreg.gather [hbm4b:s3+s2], $0x80, v4, vm0, $0xb8;
	[tilespmem:$0x18100] =	vst v63  }
0x94: {  	s14 =	simm.s32 $0x12900;
	v3 =	vadd.s32 v1, v3  }
0x95: {  	[tilespmem:s14], [sflag:$0x2] =	stream.indirect_vreg.gather [hbm4b:s5+s2], $0x80, v4, vm0, $0xb8;
	[tilespmem:$0x18100] =	vst v63  }
0x96: {  	s7 =	simm.s32 $0x13100  }
0x97: {  	[tilespmem:s7], [sflag:$0x2] =	stream.indirect_vreg.gather [hbm4b:s6+s2], $0x80, v4, vm0, $0xb8;
	[tilespmem:$0x18100] =	vst v63  }
0x98: {  	s14 =	simm.s32 $0x13900  }
0x99: {  	[tilespmem:s14], [sflag:$0x2] =	stream.indirect_vreg.gather [hbm4b:s3+s2], $0x80, v3, vm0, $0xb8;
	[tilespmem:$0x18100] =	vst v63  }
0x9a: {  	s7 =	simm.s32 $0x14100  }
0x9b: {  	[tilespmem:s7], [sflag:$0x2] =	stream.indirect_vreg.gather [hbm4b:s5+s2], $0x80, v3, vm0, $0xb8;
	[tilespmem:$0x18100] =	vst v63  }
0x9c: {  	s14 =	simm.s32 $0x14900  }
0x9d: {  	[tilespmem:s14], [sflag:$0x2] =	stream.indirect_vreg.gather [hbm4b:s6+s2], $0x80, v3, vm0, $0xb8;
	[tilespmem:$0x18100] =	vst v63  }
0x9e: {  	v3 =	vld [tilespmem:$0x70];
	_ =	sdelay $0x4  }
0x9f: {  	v55 =	vshrl.u32 v3, $0x3  }
0xa0: {  	v4 =	vmul.u32 $0x30, v55  }
0xa1: {  	v3 =	vand.u32 $0x7, v3  }
0xa2: {  	v3 =	vor.u32 v3, v4  }
0xa3: {  	v4 =	vperm.xlane v3, v0;
	_ =	sdelay $0x1  }
0xa4: {  	v4 =	vadd.s32 v1, v4;
	_ =	sdelay $0x3  }
0xa5: {  	s7 =	simm.s32 $0x15100;
	v3 =	vperm.xlane v3, v2  }
0xa6: {  	[tilespmem:s7], [sflag:$0x2] =	stream.indirect_vreg.gather [hbm4b:s3+s2], $0x80, v4, vm0, $0xb8;
	[tilespmem:$0x18100] =	vst v63  }
0xa7: {  	s14 =	simm.s32 $0x15900;
	v3 =	vadd.s32 v1, v3  }
0xa8: {  	[tilespmem:s14], [sflag:$0x2] =	stream.indirect_vreg.gather [hbm4b:s5+s2], $0x80, v4, vm0, $0xb8;
	[tilespmem:$0x18100] =	vst v63  }
0xa9: {  	s7 =	simm.s32 $0x16100  }
0xaa: {  	[tilespmem:s7], [sflag:$0x2] =	stream.indirect_vreg.gather [hbm4b:s6+s2], $0x80, v4, vm0, $0xb8;
	[tilespmem:$0x18100] =	vst v63  }
0xab: {  	s14 =	simm.s32 $0x16900  }
0xac: {  	[tilespmem:s14], [sflag:$0x2] =	stream.indirect_vreg.gather [hbm4b:s3+s2], $0x80, v3, vm0, $0xb8;
	[tilespmem:$0x18100] =	vst v63  }
0xad: {  	s7 =	simm.s32 $0x17100  }
0xae: {  	[tilespmem:s7], [sflag:$0x2] =	stream.indirect_vreg.gather [hbm4b:s5+s2], $0x80, v3, vm0, $0xb8;
	[tilespmem:$0x18100] =	vst v63  }
0xaf: {  	s14 =	simm.s32 $0x17900  }
0xb0: {  	[tilespmem:s14], [sflag:$0x2] =	stream.indirect_vreg.gather [hbm4b:s6+s2], $0x80, v3, vm0, $0xb8;
	[tilespmem:$0x18100] =	vst v63  }
0xb1: {  	_ =	swait.ge [sflag:s13], $0xC000  }
0xb2: {  	[sflag:s13] =	ssyncset.done $0x0  }
0xb3: {  	s7 =	simm.s32 $0x100;
	s0 =	rddreg [dreg:$0x7];
	[sflag:s13] =	ssyncadd.s32 $0xFFFF4000  }
0xb4: {  	[hbm4b:s0+s2] =	stream.linear.scatter [tilespmem:s7], [sflag:$0x3], $0xC000, $0x38;
	[tilespmem:$0x18100] =	vst v63  }
0xb5: {  	s0 =	simm.s32 $0x3  }
0xb6: {  	_ =	swait.ge [sflag:s0], $0xC000  }
0xb7: {  	[sflag:s0] =	ssyncset.done $0x0  }
0xb8: {  	[sflag:s0] =	ssyncadd.s32 $0xFFFF4000  }
0xb9: {  	v3 =	vld [tilespmem:$0x80];
	_ =	sdelay $0x4  }
0xba: {  	v56 =	vshrl.u32 v3, $0x3  }
0xbb: {  	v4 =	vmul.u32 $0x30, v56  }
0xbc: {  	v3 =	vand.u32 $0x7, v3  }
0xbd: {  	v3 =	vor.u32 v3, v4  }
0xbe: {  	v4 =	vperm.xlane v3, v0;
	_ =	sdelay $0x1  }
0xbf: {  	v4 =	vadd.s32 v1, v4;
	_ =	sdelay $0x3  }
0xc0: {  	v3 =	vperm.xlane v3, v2  }
0xc1: {  	[tilespmem:s7], [sflag:$0x1] =	stream.indirect_vreg.gather [hbm4b:s3+s2], $0x80, v4, vm0, $0xb8;
	[tilespmem:$0x18100] =	vst v63  }
0xc2: {  	v3 =	vadd.s32 v1, v3  }
0xc3: {  	[tilespmem:s15], [sflag:$0x1] =	stream.indirect_vreg.gather [hbm4b:s5+s2], $0x80, v4, vm0, $0xb8;
	[tilespmem:$0x18100] =	vst v63  }
0xc4: {  	_ = 	snop  }
0xc5: {  	[tilespmem:s16], [sflag:$0x1] =	stream.indirect_vreg.gather [hbm4b:s6+s2], $0x80, v4, vm0, $0xb8;
	[tilespmem:$0x18100] =	vst v63  }
0xc6: {  	_ = 	snop  }
0xc7: {  	[tilespmem:s17], [sflag:$0x1] =	stream.indirect_vreg.gather [hbm4b:s3+s2], $0x80, v3, vm0, $0xb8;
	[tilespmem:$0x18100] =	vst v63  }
0xc8: {  	_ = 	snop  }
0xc9: {  	[tilespmem:s18], [sflag:$0x1] =	stream.indirect_vreg.gather [hbm4b:s5+s2], $0x80, v3, vm0, $0xb8;
	[tilespmem:$0x18100] =	vst v63  }
0xca: {  	_ = 	snop  }
0xcb: {  	[tilespmem:s19], [sflag:$0x1] =	stream.indirect_vreg.gather [hbm4b:s6+s2], $0x80, v3, vm0, $0xb8;
	[tilespmem:$0x18100] =	vst v63  }
0xcc: {  	v3 =	vld [tilespmem:$0x90];
	_ =	sdelay $0x4  }
0xcd: {  	v57 =	vshrl.u32 v3, $0x3  }
0xce: {  	v4 =	vmul.u32 $0x30, v57  }
0xcf: {  	v3 =	vand.u32 $0x7, v3  }
0xd0: {  	v3 =	vor.u32 v3, v4  }
0xd1: {  	v4 =	vperm.xlane v3, v0;
	_ =	sdelay $0x1  }
0xd2: {  	v4 =	vadd.s32 v1, v4;
	_ =	sdelay $0x3  }
0xd3: {  	v3 =	vperm.xlane v3, v2  }
0xd4: {  	[tilespmem:s20], [sflag:$0x1] =	stream.indirect_vreg.gather [hbm4b:s3+s2], $0x80, v4, vm0, $0xb8;
	[tilespmem:$0x18100] =	vst v63  }
0xd5: {  	v3 =	vadd.s32 v1, v3  }
0xd6: {  	[tilespmem:s21], [sflag:$0x1] =	stream.indirect_vreg.gather [hbm4b:s5+s2], $0x80, v4, vm0, $0xb8;
	[tilespmem:$0x18100] =	vst v63  }
0xd7: {  	_ = 	snop  }
0xd8: {  	[tilespmem:s22], [sflag:$0x1] =	stream.indirect_vreg.gather [hbm4b:s6+s2], $0x80, v4, vm0, $0xb8;
	[tilespmem:$0x18100] =	vst v63  }
0xd9: {  	_ = 	snop  }
0xda: {  	[tilespmem:s23], [sflag:$0x1] =	stream.indirect_vreg.gather [hbm4b:s3+s2], $0x80, v3, vm0, $0xb8;
	[tilespmem:$0x18100] =	vst v63  }
0xdb: {  	_ = 	snop  }
0xdc: {  	[tilespmem:s24], [sflag:$0x1] =	stream.indirect_vreg.gather [hbm4b:s5+s2], $0x80, v3, vm0, $0xb8;
	[tilespmem:$0x18100] =	vst v63  }
0xdd: {  	_ = 	snop  }
0xde: {  	[tilespmem:s25], [sflag:$0x1] =	stream.indirect_vreg.gather [hbm4b:s6+s2], $0x80, v3, vm0, $0xb8;
	[tilespmem:$0x18100] =	vst v63  }
0xdf: {  	v3 =	vld [tilespmem:$0xA0];
	_ =	sdelay $0x4  }
0xe0: {  	v58 =	vshrl.u32 v3, $0x3  }
0xe1: {  	v4 =	vmul.u32 $0x30, v58  }
0xe2: {  	v3 =	vand.u32 $0x7, v3  }
0xe3: {  	v3 =	vor.u32 v3, v4  }
0xe4: {  	v4 =	vperm.xlane v3, v0;
	_ =	sdelay $0x1  }
0xe5: {  	v4 =	vadd.s32 v1, v4;
	_ =	sdelay $0x3  }
0xe6: {  	v3 =	vperm.xlane v3, v2  }
0xe7: {  	[tilespmem:s26], [sflag:$0x1] =	stream.indirect_vreg.gather [hbm4b:s3+s2], $0x80, v4, vm0, $0xb8;
	[tilespmem:$0x18100] =	vst v63  }
0xe8: {  	v3 =	vadd.s32 v1, v3  }
0xe9: {  	[tilespmem:s28], [sflag:$0x1] =	stream.indirect_vreg.gather [hbm4b:s5+s2], $0x80, v4, vm0, $0xb8;
	[tilespmem:$0x18100] =	vst v63  }
0xea: {  	_ = 	snop  }
0xeb: {  	[tilespmem:s29], [sflag:$0x1] =	stream.indirect_vreg.gather [hbm4b:s6+s2], $0x80, v4, vm0, $0xb8;
	[tilespmem:$0x18100] =	vst v63  }
0xec: {  	_ = 	snop  }
0xed: {  	[tilespmem:s30], [sflag:$0x1] =	stream.indirect_vreg.gather [hbm4b:s3+s2], $0x80, v3, vm0, $0xb8;
	[tilespmem:$0x18100] =	vst v63  }
0xee: {  	_ = 	snop  }
0xef: {  	[tilespmem:s31], [sflag:$0x1] =	stream.indirect_vreg.gather [hbm4b:s5+s2], $0x80, v3, vm0, $0xb8;
	[tilespmem:$0x18100] =	vst v63  }
0xf0: {  	_ = 	snop  }
0xf1: {  	[tilespmem:s1], [sflag:$0x1] =	stream.indirect_vreg.gather [hbm4b:s6+s2], $0x80, v3, vm0, $0xb8;
	[tilespmem:$0x18100] =	vst v63  }
0xf2: {  	v3 =	vld [tilespmem:$0xB0];
	_ =	sdelay $0x4  }
0xf3: {  	v59 =	vshrl.u32 v3, $0x3  }
0xf4: {  	v4 =	vmul.u32 $0x30, v59  }
0xf5: {  	v3 =	vand.u32 $0x7, v3  }
0xf6: {  	v3 =	vor.u32 v3, v4  }
0xf7: {  	v4 =	vperm.xlane v3, v0;
	_ =	sdelay $0x1  }
0xf8: {  	v4 =	vadd.s32 v1, v4;
	_ =	sdelay $0x3  }
0xf9: {  	s7 =	simm.s32 $0x9100;
	v3 =	vperm.xlane v3, v2  }
0xfa: {  	[tilespmem:s7], [sflag:$0x1] =	stream.indirect_vreg.gather [hbm4b:s3+s2], $0x80, v4, vm0, $0xb8;
	[tilespmem:$0x18100] =	vst v63  }
0xfb: {  	s14 =	simm.s32 $0x9900;
	v3 =	vadd.s32 v1, v3  }
0xfc: {  	[tilespmem:s14], [sflag:$0x1] =	stream.indirect_vreg.gather [hbm4b:s5+s2], $0x80, v4, vm0, $0xb8;
	[tilespmem:$0x18100] =	vst v63  }
0xfd: {  	_ = 	snop  }
0xfe: {  	[tilespmem:s9], [sflag:$0x1] =	stream.indirect_vreg.gather [hbm4b:s6+s2], $0x80, v4, vm0, $0xb8;
	[tilespmem:$0x18100] =	vst v63  }
0xff: {  	_ = 	snop  }
0x100: {  	[tilespmem:s4], [sflag:$0x1] =	stream.indirect_vreg.gather [hbm4b:s3+s2], $0x80, v3, vm0, $0xb8;
	[tilespmem:$0x18100] =	vst v63  }
0x101: {  	_ = 	snop  }
0x102: {  	[tilespmem:s10], [sflag:$0x1] =	stream.indirect_vreg.gather [hbm4b:s5+s2], $0x80, v3, vm0, $0xb8;
	[tilespmem:$0x18100] =	vst v63  }
0x103: {  	s1 =	simm.s32 $0x2  }
0x104: {  	[tilespmem:s11], [sflag:$0x1] =	stream.indirect_vreg.gather [hbm4b:s6+s2], $0x80, v3, vm0, $0xb8;
	[tilespmem:$0x18100] =	vst v63  }
0x105: {  	_ =	swait.ge [sflag:s1], $0xC000  }
0x106: {  	[sflag:s1] =	ssyncset.done $0x0  }
0x107: {  	s4 =	simm.s32 $0x4;
	s7 =	rddreg [dreg:$0x4];
	[sflag:s1] =	ssyncadd.s32 $0xFFFF4000  }
0x108: {  	[hbm4b:s7+s2] =	stream.linear.scatter [tilespmem:s12], [sflag:$0x4], $0xC000, $0x38;
	[tilespmem:$0x18100] =	vst v63  }
0x109: {  	_ =	swait.ge [sflag:s4], $0xC000  }
0x10a: {  	[sflag:s4] =	ssyncset.done $0x0  }
0x10b: {  	[sflag:s4] =	ssyncadd.s32 $0xFFFF4000  }
0x10c: {  	v3 =	vld [tilespmem:$0xC0];
	_ =	sdelay $0x4  }
0x10d: {  	v60 =	vshrl.u32 v3, $0x3  }
0x10e: {  	v4 =	vmul.u32 $0x30, v60  }
0x10f: {  	v3 =	vand.u32 $0x7, v3  }
0x110: {  	v3 =	vor.u32 v3, v4  }
0x111: {  	v4 =	vperm.xlane v3, v0;
	_ =	sdelay $0x1  }
0x112: {  	v4 =	vadd.s32 v1, v4;
	_ =	sdelay $0x3  }
0x113: {  	v3 =	vperm.xlane v3, v2  }
0x114: {  	[tilespmem:s12], [sflag:$0x2] =	stream.indirect_vreg.gather [hbm4b:s3+s2], $0x80, v4, vm0, $0xb8;
	[tilespmem:$0x18100] =	vst v63  }
0x115: {  	s14 =	simm.s32 $0xC900;
	v3 =	vadd.s32 v1, v3  }
0x116: {  	[tilespmem:s14], [sflag:$0x2] =	stream.indirect_vreg.gather [hbm4b:s5+s2], $0x80, v4, vm0, $0xb8;
	[tilespmem:$0x18100] =	vst v63  }
0x117: {  	s14 =	simm.s32 $0xD100  }
0x118: {  	[tilespmem:s14], [sflag:$0x2] =	stream.indirect_vreg.gather [hbm4b:s6+s2], $0x80, v4, vm0, $0xb8;
	[tilespmem:$0x18100] =	vst v63  }
0x119: {  	s14 =	simm.s32 $0xD900  }
0x11a: {  	[tilespmem:s14], [sflag:$0x2] =	stream.indirect_vreg.gather [hbm4b:s3+s2], $0x80, v3, vm0, $0xb8;
	[tilespmem:$0x18100] =	vst v63  }
0x11b: {  	s14 =	simm.s32 $0xE100  }
0x11c: {  	[tilespmem:s14], [sflag:$0x2] =	stream.indirect_vreg.gather [hbm4b:s5+s2], $0x80, v3, vm0, $0xb8;
	[tilespmem:$0x18100] =	vst v63  }
0x11d: {  	s14 =	simm.s32 $0xE900  }
0x11e: {  	[tilespmem:s14], [sflag:$0x2] =	stream.indirect_vreg.gather [hbm4b:s6+s2], $0x80, v3, vm0, $0xb8;
	[tilespmem:$0x18100] =	vst v63  }
0x11f: {  	v3 =	vld [tilespmem:$0xD0];
	_ =	sdelay $0x4  }
0x120: {  	v61 =	vshrl.u32 v3, $0x3  }
0x121: {  	v4 =	vmul.u32 $0x30, v61  }
0x122: {  	v3 =	vand.u32 $0x7, v3  }
0x123: {  	v3 =	vor.u32 v3, v4  }
0x124: {  	v4 =	vperm.xlane v3, v0;
	_ =	sdelay $0x1  }
0x125: {  	v4 =	vadd.s32 v1, v4;
	_ =	sdelay $0x3  }
0x126: {  	s14 =	simm.s32 $0xF100;
	v3 =	vperm.xlane v3, v2  }
0x127: {  	[tilespmem:s14], [sflag:$0x2] =	stream.indirect_vreg.gather [hbm4b:s3+s2], $0x80, v4, vm0, $0xb8;
	[tilespmem:$0x18100] =	vst v63  }
0x128: {  	v3 =	vadd.s32 v1, v3;
	s14 =	simm.s32 $0xF900  }
0x129: {  	[tilespmem:s14], [sflag:$0x2] =	stream.indirect_vreg.gather [hbm4b:s5+s2], $0x80, v4, vm0, $0xb8;
	[tilespmem:$0x18100] =	vst v63  }
0x12a: {  	s14 =	simm.s32 $0x10100  }
0x12b: {  	[tilespmem:s14], [sflag:$0x2] =	stream.indirect_vreg.gather [hbm4b:s6+s2], $0x80, v4, vm0, $0xb8;
	[tilespmem:$0x18100] =	vst v63  }
0x12c: {  	s14 =	simm.s32 $0x10900  }
0x12d: {  	[tilespmem:s14], [sflag:$0x2] =	stream.indirect_vreg.gather [hbm4b:s3+s2], $0x80, v3, vm0, $0xb8;
	[tilespmem:$0x18100] =	vst v63  }
0x12e: {  	s14 =	simm.s32 $0x11100  }
0x12f: {  	[tilespmem:s14], [sflag:$0x2] =	stream.indirect_vreg.gather [hbm4b:s5+s2], $0x80, v3, vm0, $0xb8;
	[tilespmem:$0x18100] =	vst v63  }
0x130: {  	s14 =	simm.s32 $0x11900  }
0x131: {  	[tilespmem:s14], [sflag:$0x2] =	stream.indirect_vreg.gather [hbm4b:s6+s2], $0x80, v3, vm0, $0xb8;
	[tilespmem:$0x18100] =	vst v63  }
0x132: {  	v3 =	vld [tilespmem:$0xE0];
	_ =	sdelay $0x4  }
0x133: {  	v62 =	vshrl.u32 v3, $0x3  }
0x134: {  	v4 =	vmul.u32 $0x30, v62  }
0x135: {  	v3 =	vand.u32 $0x7, v3  }
0x136: {  	v3 =	vor.u32 v3, v4  }
0x137: {  	v4 =	vperm.xlane v3, v0;
	_ =	sdelay $0x1  }
0x138: {  	v4 =	vadd.s32 v1, v4;
	_ =	sdelay $0x3  }
0x139: {  	s14 =	simm.s32 $0x12100;
	v3 =	vperm.xlane v3, v2  }
0x13a: {  	[tilespmem:s14], [sflag:$0x2] =	stream.indirect_vreg.gather [hbm4b:s3+s2], $0x80, v4, vm0, $0xb8;
	[tilespmem:$0x18100] =	vst v63  }
0x13b: {  	v3 =	vadd.s32 v1, v3;
	s14 =	simm.s32 $0x12900  }
0x13c: {  	[tilespmem:s14], [sflag:$0x2] =	stream.indirect_vreg.gather [hbm4b:s5+s2], $0x80, v4, vm0, $0xb8;
	[tilespmem:$0x18100] =	vst v63  }
0x13d: {  	s14 =	simm.s32 $0x13100  }
0x13e: {  	[tilespmem:s14], [sflag:$0x2] =	stream.indirect_vreg.gather [hbm4b:s6+s2], $0x80, v4, vm0, $0xb8;
	[tilespmem:$0x18100] =	vst v63  }
0x13f: {  	s14 =	simm.s32 $0x13900  }
0x140: {  	[tilespmem:s14], [sflag:$0x2] =	stream.indirect_vreg.gather [hbm4b:s3+s2], $0x80, v3, vm0, $0xb8;
	[tilespmem:$0x18100] =	vst v63  }
0x141: {  	s14 =	simm.s32 $0x14100  }
0x142: {  	[tilespmem:s14], [sflag:$0x2] =	stream.indirect_vreg.gather [hbm4b:s5+s2], $0x80, v3, vm0, $0xb8;
	[tilespmem:$0x18100] =	vst v63  }
0x143: {  	s14 =	simm.s32 $0x14900  }
0x144: {  	[tilespmem:s14], [sflag:$0x2] =	stream.indirect_vreg.gather [hbm4b:s6+s2], $0x80, v3, vm0, $0xb8;
	[tilespmem:$0x18100] =	vst v63  }
0x145: {  	v3 =	vld [tilespmem:$0xF0];
	_ =	sdelay $0x4  }
0x146: {  	v63 =	vshrl.u32 v3, $0x3  }
0x147: {  	v4 =	vmul.u32 $0x30, v63  }
0x148: {  	v3 =	vand.u32 $0x7, v3  }
0x149: {  	v3 =	vor.u32 v3, v4  }
0x14a: {  	v4 =	vperm.xlane v3, v0;
	_ =	sdelay $0x1  }
0x14b: {  	v4 =	vadd.s32 v1, v4;
	_ =	sdelay $0x3  }
0x14c: {  	s14 =	simm.s32 $0x15100;
	v3 =	vperm.xlane v3, v2  }
0x14d: {  	[tilespmem:s14], [sflag:$0x2] =	stream.indirect_vreg.gather [hbm4b:s3+s2], $0x80, v4, vm0, $0xb8;
	[tilespmem:$0x18100] =	vst v63  }
0x14e: {  	v3 =	vadd.s32 v1, v3;
	s14 =	simm.s32 $0x15900  }
0x14f: {  	[tilespmem:s14], [sflag:$0x2] =	stream.indirect_vreg.gather [hbm4b:s5+s2], $0x80, v4, vm0, $0xb8;
	[tilespmem:$0x18100] =	vst v63  }
0x150: {  	s14 =	simm.s32 $0x16100  }
0x151: {  	[tilespmem:s14], [sflag:$0x2] =	stream.indirect_vreg.gather [hbm4b:s6+s2], $0x80, v4, vm0, $0xb8;
	[tilespmem:$0x18100] =	vst v63  }
0x152: {  	s14 =	simm.s32 $0x16900  }
0x153: {  	[tilespmem:s14], [sflag:$0x2] =	stream.indirect_vreg.gather [hbm4b:s3+s2], $0x80, v3, vm0, $0xb8;
	[tilespmem:$0x18100] =	vst v63  }
0x154: {  	s14 =	simm.s32 $0x17100  }
0x155: {  	[tilespmem:s14], [sflag:$0x2] =	stream.indirect_vreg.gather [hbm4b:s5+s2], $0x80, v3, vm0, $0xb8;
	[tilespmem:$0x18100] =	vst v63  }
0x156: {  	s14 =	simm.s32 $0x17900  }
0x157: {  	[tilespmem:s14], [sflag:$0x2] =	stream.indirect_vreg.gather [hbm4b:s6+s2], $0x80, v3, vm0, $0xb8;
	[tilespmem:$0x18100] =	vst v63  }
0x158: {  	_ =	swait.ge [sflag:s13], $0xC000  }
0x159: {  	[sflag:s13] =	ssyncset.done $0x0  }
0x15a: {  	s7 =	simm.s32 $0x100;
	s14 =	rddreg [dreg:$0x5];
	[sflag:s13] =	ssyncadd.s32 $0xFFFF4000  }
0x15b: {  	[hbm4b:s14+s2] =	stream.linear.scatter [tilespmem:s7], [sflag:$0x3], $0xC000, $0x38;
	[tilespmem:$0x18100] =	vst v63  }
0x15c: {  	_ =	swait.ge [sflag:s1], $0xC000  }
0x15d: {  	[sflag:s1] =	ssyncset.done $0x0  }
0x15e: {  	s7 =	rddreg [dreg:$0x6];
	[sflag:s1] =	ssyncadd.s32 $0xFFFF4000  }
0x15f: {  	[hbm4b:s7+s2] =	stream.linear.scatter [tilespmem:s12], [sflag:$0x4], $0xC000, $0x38;
	[tilespmem:$0x18100] =	vst v63  }
0x160: {  	p0 =	sne.s32 s8, $0x1;
	_ =	swait.ge [sflag:s0], $0xC000  }
.Ltmp0:
0x161: {  	[sflag:s0] =	ssyncset.done $0x0;
	(pc) =	sbr.rel @p0 .LBB2_1-.Ltmp0, $4  }
0x162: {  	[sflag:s0] =	ssyncadd.s32 $0xFFFF4000  }
0x163: {  	_ =	swait.ge [sflag:s4], $0xC000  }
0x164: {  	[sflag:s4] =	ssyncset.done $0x0  }
0x165: {  	s8 =	sadd.s32 $0xFFFFFFFF, s8;
	[sflag:s4] =	ssyncadd.s32 $0xFFFF4000  }
0x166: {  	_ =	sfence.sel $0x180000  }
0x167: {  	[bflag:$0x0] =	sbarrier.arrive $0xFFFF  }
0x168: {  	_ =	strace $0x9000004A  }
0x169: {  	s0 =	stileid.u32;
	[bflag:$0x2] =	sbarrier.arrive $0xFFFF  }
0x16a: {  	p0 =	sne.s32 s0, $0x0;
	s0 =	rddreg [dreg:$0x2]  }
0x16b: {  	s0 =	sadd.s32 @!p0 $0x100000, s0  }
0x16c: {  	[sflag:s0] =	ssyncadd.tile.s32 @!p0 $0x1;
	_ =	shalt  }
.Lfunc_end2:
_tile_overlayer_lowered:
.L_overlay_start_2:
0x16d: {  	(tag) =	ssettag $0x2  }
0x16e: {  	s0 =	rddreg [dreg:$0x0];
	s2 =	stileid.u32  }
0x16f: {  	s1 =	rddreg [dreg:$0x1];
	p0 =	sne.s32 s2, $0x0  }
0x170: {  	s3 =	rddreg [dreg:$0x2];
	[bflag:$0x3] =	sbarrier.arrive $0xFFFF;
	s2 =	simm.s32 @!p0 $0x1C05  }
0x171: {  	[timem:s3], [sflag:s2] =	dma.local @!p0 [hbm:s0], s1  }
0x172: {  	s0 =	simm.s32 @!p0 $0x5  }
0x173: {  	_ =	swait.ge @!p0 [sflag:s0], s1  }
0x174: {  	s1 =	ssub.s32 @!p0 $0x0, s1;
	[sflag:s0] =	ssyncset.done @!p0 $0x0  }
0x175: {  	[sflag:s0] =	ssyncadd.s32 @!p0 s1  }
0x176: {  	[bflag:$0x3] =	sbarrier.arrive $0xFFFF  }
0x177: {  	_ =	shalt  }

// kernel: kernel.7.cloned.1.call-start
scs
__scs_entry_jumppad:
0x0: {  	(pc) =	sbr.rel $0x88, $3  }
0x1: {  	(tag) =	ssettag $0x0;
	lr =	simm.s32 $0x1  }
0x2: {  	[smem:$0x3F94] =	sst lr;
	_ =	strace $0xD0000000  }
0x3: {  	_ = 	snop  }
0x4: {  	_ = 	snop  }
0x5: {  	_ = 	snop  }
0x6: {  	_ = 	snop  }
0x7: {  	_ = 	snop  }
__scs_overlays_trampoline_lowered:
0x8: {  	[smem:$0x3FA3] =	sst s0  }
0x9: {  	[smem:$0x3FA4] =	sst s1  }
0xa: {  	[smem:$0x3FA5] =	sst s2  }
0xb: {  	[smem:$0x3FA6] =	sst s3  }
0xc: {  	[smem:$0x3FA7] =	sst s4  }
0xd: {  	[smem:$0x3FA8] =	sst s5  }
0xe: {  	[smem:$0x3FA9] =	sst s6  }
0xf: {  	[smem:$0x3FAA] =	sst s7  }
0x10: {  	[smem:$0x3FAB] =	sst s8  }
0x11: {  	[smem:$0x3FAC] =	sst s9;
	s0 =	simm.s32 @!p0 $0x0  }
0x12: {  	s1 =	sld [smem:$0x3F92];
	s0 =	simm.s32 @p0 $0x1  }
0x13: {  	[smem:$0x3FAD] =	sst s0;
	s0 =	simm.s32 @!p1 $0x0  }
0x14: {  	s2 =	sld [smem:$0x3F91];
	s0 =	simm.s32 @p1 $0x1  }
0x15: {  	[smem:$0x3FAE] =	sst s0;
	s0 =	simm.s32 @!p2 $0x0  }
0x16: {  	s3 =	sld [smem:$0x3FDB];
	s0 =	simm.s32 @p2 $0x1  }
0x17: {  	s4 =	simm.s32 $0x1BF5;
	[smem:$0x3FB0] =	sst s0  }
0x18: {  	s0 =	sld [smem:$0x3F93];
	_ =	swait.ge [sflag:s4], $0x0  }
0x19: {  	s7 =	sld [smem:$0x3F94]  }
0x1a: {  	s8 =	sadd.s32 $0xFFFFE003, lr  }
0x1b: {  	s9 =	sadd.s32 $0xFFFFFEF7, lr;
	s5 =	simm.s32 $0xFFFFFFFF;
	p2 =	slt.u32 s8, $0xFFFFF086  }
0x1c: {  	p1 =	slt.u32 s9, $0xF7A;
	s5 =	simm.s32 @!p2 $0x0  }
0x1d: {  	s5 =	simm.s32 @p1 $0x1;
	p0 =	seq.s32 s7, s2  }
0x1e: {  	s7 =	smul.u32 @!p0 $0xF7A, s2;
	p2 =	seq.s32 @!p0 s5, $0x0  }
0x1f: {  	s9 =	smul.u32 $0xF7A, s1;
	s8 =	simm.s32 @!p0 $0x1BF5;
	p2 =	por !p2, p0  }
0x20: {  	[sflag:s8] =	ssyncset.s32 @!p0 $0xFFFFF086;
	s6 =	sadd.s32 @!p0 s3, s7;
	s7 =	simm.s32 @!p0 $0x108  }
0x21: {  	s3 =	sadd.s32 s3, s9;
	s6 =	sadd.s32 @!p0 $0x88, s6;
	s7 =	simm.s32 @p2 $0x1082  }
0x22: {  	[simem:s7], [sflag:s8] =	dma.local @!p0 [hbm:s6], $0xF7A  }
0x23: {  	s9 =	sor.u32 $0xD0000000, s2;
	s6 =	simm.s32 $0x108;
	_ =	swait.ge @!p0 [sflag:s8], $0x0  }
0x24: {  	s3 =	sadd.s32 $0x88, s3;
	s6 =	simm.s32 @!p1 $0x1082;
	[sflag:s4] =	ssyncset.s32 $0xFFFFF086  }
0x25: {  	[simem:s6], [sflag:s4] =	dma.local [hbm:s3], $0xF7A  }
0x26: {  	[smem:$0x3F94] =	sst s1;
	(tag) =	ssettag s2;
	_ =	strace s9  }
0x27: {  	s1 =	sld [smem:$0x3FA4]  }
0x28: {  	s2 =	sld [smem:$0x3FA5]  }
0x29: {  	s4 =	sld [smem:$0x3FA7]  }
0x2a: {  	p0 =	seq.s32 s5, $0x0;
	s5 =	sld [smem:$0x3FA8]  }
0x2b: {  	s6 =	sld [smem:$0x3FA9]  }
0x2c: {  	s7 =	sld [smem:$0x3FAA]  }
0x2d: {  	s3 =	simm.s32 $0x108;
	s8 =	sld [smem:$0x3FAB]  }
0x2e: {  	s3 =	simm.s32 @!p0 $0x1082;
	s9 =	sld [smem:$0x3FAC]  }
0x2f: {  	lr =	sadd.s32 s0, s3;
	s0 =	sld [smem:$0x3FA3]  }
0x30: {  	s3 =	sld [smem:$0x3FA6]  }
0x31: {  	[smem:$0x3FAF] =	sst s10  }
0x32: {  	s10 =	sld [smem:$0x3FAD];
	_ =	sdelay $0x3  }
0x33: {  	p0 =	seq.s32 s10, $0x1;
	s10 =	sld [smem:$0x3FAF];
	_ =	sdelay $0x3  }
0x34: {  	[smem:$0x3FAF] =	sst s10  }
0x35: {  	s10 =	sld [smem:$0x3FAE];
	_ =	sdelay $0x3  }
0x36: {  	p1 =	seq.s32 s10, $0x1;
	s10 =	sld [smem:$0x3FAF];
	_ =	sdelay $0x3  }
0x37: {  	[smem:$0x3FAF] =	sst s10  }
0x38: {  	s10 =	sld [smem:$0x3FB0]  }
0x39: {  	_ = 	snop;
	(pc) =	sbr.ind lr, $3  }
0x3a: {  	_ = 	snop  }
0x3b: {  	_ = 	snop  }
0x3c: {  	p2 =	seq.s32 s10, $0x1;
	s10 =	sld [smem:$0x3FAF]  }
0x3d: {  	_ =	shalt  }
0x3e: {  	_ =	shalt  }
0x3f: {  	_ =	shalt  }
0x40: {  	_ =	shalt  }
0x41: {  	_ =	shalt  }
0x42: {  	_ =	shalt  }
0x43: {  	_ =	shalt  }
0x44: {  	_ =	shalt  }
0x45: {  	_ =	shalt  }
0x46: {  	_ =	shalt  }
0x47: {  	_ =	shalt  }
0x48: {  	_ =	shalt  }
0x49: {  	_ =	shalt  }
0x4a: {  	_ =	shalt  }
0x4b: {  	_ =	shalt  }
0x4c: {  	_ =	shalt  }
0x4d: {  	_ =	shalt  }
0x4e: {  	_ =	shalt  }
0x4f: {  	_ =	shalt  }
0x50: {  	_ =	shalt  }
0x51: {  	_ =	shalt  }
0x52: {  	_ =	shalt  }
0x53: {  	_ =	shalt  }
0x54: {  	_ =	shalt  }
0x55: {  	_ =	shalt  }
0x56: {  	_ =	shalt  }
0x57: {  	_ =	shalt  }
0x58: {  	_ =	shalt  }
0x59: {  	_ =	shalt  }
0x5a: {  	_ =	shalt  }
0x5b: {  	_ =	shalt  }
0x5c: {  	_ =	shalt  }
0x5d: {  	_ =	shalt  }
0x5e: {  	_ =	shalt  }
0x5f: {  	_ =	shalt  }
0x60: {  	_ =	shalt  }
0x61: {  	_ =	shalt  }
0x62: {  	_ =	shalt  }
0x63: {  	_ =	shalt  }
0x64: {  	_ =	shalt  }
0x65: {  	_ =	shalt  }
0x66: {  	_ =	shalt  }
0x67: {  	_ =	shalt  }
0x68: {  	_ =	shalt  }
0x69: {  	_ =	shalt  }
0x6a: {  	_ =	shalt  }
0x6b: {  	_ =	shalt  }
0x6c: {  	_ =	shalt  }
0x6d: {  	_ =	shalt  }
0x6e: {  	_ =	shalt  }
0x6f: {  	_ =	shalt  }
0x70: {  	_ =	shalt  }
0x71: {  	_ =	shalt  }
0x72: {  	_ =	shalt  }
0x73: {  	_ =	shalt  }
0x74: {  	_ =	shalt  }
0x75: {  	_ =	shalt  }
0x76: {  	_ =	shalt  }
0x77: {  	_ =	shalt  }
0x78: {  	_ =	shalt  }
0x79: {  	_ =	shalt  }
0x7a: {  	_ =	shalt  }
0x7b: {  	_ =	shalt  }
0x7c: {  	_ =	shalt  }
0x7d: {  	_ =	shalt  }
0x7e: {  	_ =	shalt  }
0x7f: {  	_ =	shalt  }
0x80: {  	_ =	shalt  }
0x81: {  	_ =	shalt  }
0x82: {  	_ =	shalt  }
0x83: {  	_ =	shalt  }
0x84: {  	_ =	shalt  }
0x85: {  	_ =	shalt  }
0x86: {  	_ =	shalt  }
0x87: {  	_ =	shalt  }
.Lfunc_end0:
.L_simem_size_0:
called_computation_lowered:
.L_overlay_start_0:
0x88: {  	s2 =	sld [smem:$0x3FD9]  }
0x89: {  	s3 =	sld [smem:$0x3FFE];
	_ =	sdelay $0x1  }
0x8a: {  	s1 =	srdreg.scid  }
0x8b: {  	s0 =	sand.u32 $0x1, s1  }
0x8c: {  	s14 =	sshll.u32 s0, $0xA;
	s2 =	sadd.s32 s3, s2  }
0x8d: {  	s2 =	sadd.s32 s2, s14  }
0x8e: {  	[smem:$0x3FBB] =	sst s2  }
0x8f: {  	_ = 	snop  }
0x90: {  	s2 =	sld [smem:$0x3FD0];
	_ =	sdelay $0x2  }
0x91: {  	s4 =	simm.s32 $0xA;
	s5 =	simm.s32 $0x10;
	s15 =	sld [smem:$0x3FC9]  }
0x92: {  	[smem:s5], [sflag:s4] =	dma.local [hbm:s2], $0x1  }
0x93: {  	_ =	swait.eq [sflag:s4], $0x1  }
0x94: {  	[sflag:s4] =	ssyncset.done $0x0  }
0x95: {  	[sflag:s4] =	ssyncadd.s32 $0xFFFFFFFF  }
0x96: {  	s16 =	sld [smem:$0x10];
	(tm) =	ssettm $0x1  }
0x97: {  	s17 =	sld [smem:$0x3FFB];
	_ =	sdelay $0x3  }
0x98: {  	_ =	strace s17  }
0x99: {  	s4 =	sld [smem:$0x3FFC];
	_ =	sdelay $0x3  }
0x9a: {  	_ =	strace s4  }
0x9b: {  	s4 =	sld [smem:$0x3FFD];
	_ =	sdelay $0x3  }
0x9c: {  	_ =	strace s4  }
0x9d: {  	_ =	strace $0x8FFFFFFF  }
0x9e: {  	s18 =	sld [smem:$0x3FDB];
	_ =	sdelay $0x1  }
0x9f: {  	s19 =	simm.s32 $_scs_section_size  }
0xa0: {  	s6 =	simm.s32 $_size__tile_overlayer_lowered;
	s7 =	simm.s32 $_tile_overlayer_lowered  }
0xa1: {  	s22 =	simm.s32 $0x1BFF;
	s21 =	sshll.u32 s7, $0x1;
	s4 =	sadd.s32 s19, s18  }
0xa2: {  	s8 =	simm.s32 $0x0;
	s20 =	sshll.u32 s6, $0x1;
	s6 =	sadd.s32 s21, s4  }
0xa3: {  	[timem:s8], [sflag:s22] =	dma.local [hbm:s6], s20  }
0xa4: {  	_ =	swait.ge [sflag:s22], s20  }
0xa5: {  	s5 =	ssub.s32 $0x0, s20;
	[sflag:s22] =	ssyncset.done $0x0  }
0xa6: {  	[sflag:s22] =	ssyncadd.s32 s5;
	_ =	sdelay $0x1  }
0xa7: {  	s23 =	simm.s32 $0x1B8B  }
0xa8: {  	_ =	swait.ge [sflag:s23], $0x1  }
0xa9: {  	[sflag:s23] =	ssyncset.done $0x0  }
0xaa: {  	s25 =	simm.s32 $0x1B8E;
	s24 =	sld [smem:$0x3FFE];
	[sflag:s23] =	ssyncadd.s32 $0xFFFFFFFF  }
0xab: {  	s26 =	simm.s32 $execute0_lowered;
	[smem:$0x3FD2] =	sst s25  }
0xac: {  	s6 =	sshll.u32 s26, $0x1;
	_ =	strace $0x80000046;
	[dreg:$0x1] =	wrdreg $0xFFFFFFFF  }
0xad: {  	s28 =	simm.s32 $_size_execute0_lowered;
	s4 =	sadd.s32 s4, s6;
	[dreg:$0x0] =	wrdreg $0x0  }
0xae: {  	s6 =	sshll.u32 s28, $0x1;
	[dreg:$0x2] =	wrdreg s4  }
0xaf: {  	[dreg:$0x3] =	wrdreg s6  }
0xb0: {  	[dreg:$0x4] =	wrdreg $0xC0  }
0xb1: {  	_ =	task [dreg:s8], $0x5FFFF  }
0xb2: {  	[dreg:$0x1] =	wrdreg $0xFFFFFFFF  }
0xb3: {  	[dreg:$0x0] =	wrdreg $0x60  }
0xb4: {  	[dreg:$0x2] =	wrdreg s15  }
0xb5: {  	[dreg:$0x3] =	wrdreg s16  }
0xb6: {  	[dreg:$0x4] =	wrdreg s24  }
0xb7: {  	[dreg:$0x5] =	wrdreg $0x9  }
0xb8: {  	_ =	task.clear_ibuf [dreg:s8], $0x6FFFF;
	_ =	strace $0x90000046  }
0xb9: {  	s29 =	simm.s32 $0x9;
	_ =	strace $0x80000048  }
0xba: {  	_ =	swait.ge [sflag:s29], $0x1  }
0xbb: {  	[sflag:s29] =	ssyncadd.s32 $0xFFFFFFFF  }
0xbc: {  	_ =	strace $0x90000048  }
0xbd: {  	_ =	sfence  }
0xbe: {  	s30 =	sld [smem:$0x0];
	_ =	sdelay $0x2  }
0xbf: {  	s31 =	sshll.u32 s1, $0xD;
	s1 =	sshrl.u32 s1, $0x2  }
0xc0: {  	s3 =	sand.u32 $0x4000, s31;
	s1 =	sadd.s32 s1, s30  }
0xc1: {  	s0 =	sor.u32 s3, s0;
	s1 =	sshll.u32 s1, $0x11  }
0xc2: {  	s0 =	sor.u32 s1, s0  }
0xc3: {  	s0 =	sadd.s32 $0x8F2B, s0  }
0xc4: {  	[sflag:s0] =	ssyncadd.remote.s32 $0x1  }
0xc5: {  	_ =	sfence.sel $0xFFFF  }
0xc6: {  	[dreg:$0x0] =	wrdreg $0xFFFFFFFF;
	(pc) =	sbr.abs _section_cstart, $3  }
0xc7: {  	[dreg:$0x1] =	wrdreg $0xFFFFFFFF  }
0xc8: {  	_ =	task.clear_ibuf [dreg:s8], $0x2FFFF;
	_ =	strace $0x9FFFFFFF  }
0xc9: {  	(tm) =	ssettm $0x7FFFFFFF  }
tec
execute0_lowered:
.L_overlay_start_1:
0x0: {  	(tag) =	ssettag $0x1  }
0x1: {  	s1 =	rddreg [dreg:$0x0]  }
0x2: {  	s0 =	srdreg.scid;
	s3 =	stileid.u32  }
0x3: {  	s2 =	rddreg [dreg:$0x2];
	s4 =	simm.s32 $0x0;
	s18 =	simm.s32 $0x2  }
0x4: {  	s19 =	simm.s32 $0x2000;
	s31 =	simm.s32 $0x4600;
	s16 =	simm.s32 $0x1  }
0x5: {  	s17 =	simm.s32 $0x0;
	s0 =	sand.u32 $0x1, s0;
	s3 =	sshll.u32 s3, $0x1  }
0x6: {  	[smem:$0x7FF] =	sst s4;
	s3 =	sor.u32 s0, s3;
	s0 =	ssub.s32 $0x2, s0  }
0x7: {  	s2 =	sadd.s32 $0x1A00, s2;
	s5 =	smul.u32 $0x130, s3;
	s22 =	sshrl.u32 s0, $0x1  }
0x8: {  	s10 =	sadd.s32 $0x100, s1;
	_ =	strace $0x80000047;
	s0 =	ssub.s32 s0, s22  }
0x9: {  	s23 =	sshrl.u32 s5, $0x3;
	s6 =	sadd.s32 $0x40, s5;
	[dreg:$0xe] =	wrdreg s5  }
0xa: {  	s24 =	sadd.s32 $0x80, s5;
	s25 =	sadd.s32 $0xC0, s5;
	[dreg:$0xb] =	wrdreg s6  }
0xb: {  	s26 =	sadd.s32 $0x100, s5;
	s0 =	smax.u32 s0, $0x1;
	[dreg:$0xc] =	wrdreg s24  }
0xc: {  	s3 =	smul.u32 $0x300, s23;
	s8 =	sshrl.u32 s6, $0x3;
	[dreg:$0xd] =	wrdreg s25  }
0xd: {  	s9 =	sshrl.u32 s24, $0x3;
	s11 =	sshrl.u32 s25, $0x3;
	[dreg:$0xa] =	wrdreg s26  }
0xe: {  	s15 =	sshrl.u32 s26, $0x3;
	[dreg:$0x9] =	wrdreg s0;
	s12 =	smul.u32 $0x300, s8  }
0xf: {  	s24 =	simm.s32 $0xFE00;
	s13 =	smul.u32 $0x300, s9;
	s3 =	sadd.s32 s2, s3  }
0x10: {  	s14 =	smul.u32 $0x300, s11;
	[dreg:$0x4] =	wrdreg s3;
	s12 =	sadd.s32 s2, s12  }
0x11: {  	s28 =	smul.u32 $0x300, s15;
	s29 =	sadd.s32 s2, s13;
	[dreg:$0x5] =	wrdreg s12  }
0x12: {  	v0 =	vlaneseq.u32;
	s11 =	sadd.s32 $0x200, s1;
	s30 =	sadd.s32 s2, s14;
	[dreg:$0x6] =	wrdreg s29  }
0x13: {  	vm0 =	vmmov $0xffff;
	v2 =	vshrl.u32 v0, $0x3;
	s15 =	simm.s32 $0xD600;
	s2 =	sadd.s32 s2, s28;
	[dreg:$0x7] =	wrdreg s30  }
0x14: {  	v1 =	vand.u32 $0x7, v0;
	v3 =	vor.u32 $0x8, v0;
	v2 =	vmul.u32 $0x8, v2;
	s13 =	simm.s32 $0xEE00;
	[dreg:$0x8] =	wrdreg s2;
	s12 =	simm.s32 $0xF600  }
.LBB2_1:
0x15: {  	s21 =	rddreg [dreg:$0x1]  }
0x16: {  	[tilespmem:s4], [sflag:$0x2] =	stream.linear.gather [hbm4b:s21+s4], $0x2000, $0x38;
	[tilespmem:$0x10600] =	vst v63  }
0x17: {  	_ =	swait.ge [sflag:s18], $0x2000  }
0x18: {  	[sflag:s18] =	ssyncset.done $0x0  }
0x19: {  	s22 =	simm.s32 $0x0;
	s21 =	simm.s32 $0x2000;
	[sflag:s18] =	ssyncadd.s32 $0xFFFFE000  }
.LBB2_2:
0x1a: {  	p0 =	sne.s32 s22, $0x25F0  }
.Ltmp0:
0x1b: {  	_ = 	snop;
	(pc) =	sbr.rel @p0 .LBB2_2-.Ltmp0, $4  }
0x1c: {  	_ = 	snop  }
0x1d: {  	v4 =	vor.u32 s22, v0  }
0x1e: {  	v4 =	vand.u32 $0x1FFF, v4  }
0x1f: {  	s22 =	sadd.s32 $0x10, s22;
	[tilespmem:s21+$0x0] =	vst v4;
	s21 =	sadd.s32 $0x10, s21  }
0x20: {  	s21 =	simm.s32 $0x0  }
0x21: {  	s22 =	simm.s32 $0x10;
	s23 =	simm.s32 $0x0;
	v4 =	vld [tilespmem:s21+$0x0]  }
.LBB2_4:
0x22: {  	p0 =	sne.s32 s22, $0x1FF0;
	_ =	sdelay $0x3  }
.Ltmp1:
0x23: {  	(pc) =	sbr.rel @p0 .LBB2_4-.Ltmp1, $4  }
0x24: {  	_ = 	snop  }
0x25: {  	v5 =	vor.u32 s21, v0;
	s21 =	smov.u32 s22  }
0x26: {  	s23 =	sadd.s32 $0x10, s23;
	[tilespmem:v4+s19+$0x0] =	vst.idx.msk $0xffff, v5  }
0x27: {  	s22 =	sadd.s32 $0x10, s22;
	v4 =	vld [tilespmem:s23+$0x0]  }
0x28: {  	_ =	sdelay $0x6  }
0x29: {  	v5 =	vor.u32 s21, v0  }
0x2a: {  	s5 =	rddreg [dreg:$0xe];
	[tilespmem:v4+s19+$0x0] =	vst.idx.msk $0xffff, v5  }
0x2b: {  	v4 =	vld [tilespmem:s5+$0x2000];
	_ =	sdelay $0x4  }
0x2c: {  	v5 =	vshrl.u32 v4, $0x3  }
0x2d: {  	v5 =	vmul.u32 $0x30, v5  }
0x2e: {  	v4 =	vand.u32 $0x7, v4  }
0x2f: {  	v4 =	vor.u32 v4, v5  }
0x30: {  	v5 =	vperm.xlane v4, v1;
	_ =	sdelay $0x1  }
0x31: {  	v5 =	vadd.s32 v2, v5;
	_ =	sdelay $0x3  }
0x32: {  	v4 =	vperm.xlane v4, v3  }
0x33: {  	[tilespmem:s31], [sflag:$0x1] =	stream.indirect_vreg.gather [hbm4b:s1+s4], $0x80, v5, vm0, $0xb8;
	[tilespmem:$0x10600] =	vst v63  }
0x34: {  	s0 =	simm.s32 $0x4E00;
	v4 =	vadd.s32 v2, v4  }
0x35: {  	[tilespmem:s0], [sflag:$0x1] =	stream.indirect_vreg.gather [hbm4b:s10+s4], $0x80, v5, vm0, $0xb8;
	[tilespmem:$0x10600] =	vst v63  }
0x36: {  	s25 =	simm.s32 $0x5600  }
0x37: {  	[tilespmem:s25], [sflag:$0x1] =	stream.indirect_vreg.gather [hbm4b:s11+s4], $0x80, v5, vm0, $0xb8;
	[tilespmem:$0x10600] =	vst v63  }
0x38: {  	s26 =	simm.s32 $0x5E00  }
0x39: {  	[tilespmem:s26], [sflag:$0x1] =	stream.indirect_vreg.gather [hbm4b:s1+s4], $0x80, v4, vm0, $0xb8;
	[tilespmem:$0x10600] =	vst v63  }
0x3a: {  	s28 =	simm.s32 $0x6600  }
0x3b: {  	[tilespmem:s28], [sflag:$0x1] =	stream.indirect_vreg.gather [hbm4b:s10+s4], $0x80, v4, vm0, $0xb8;
	[tilespmem:$0x10600] =	vst v63  }
0x3c: {  	s29 =	simm.s32 $0x6E00  }
0x3d: {  	[tilespmem:s29], [sflag:$0x1] =	stream.indirect_vreg.gather [hbm4b:s11+s4], $0x80, v4, vm0, $0xb8;
	[tilespmem:$0x10600] =	vst v63  }
0x3e: {  	v4 =	vld [tilespmem:s5+$0x2010];
	_ =	sdelay $0x4  }
0x3f: {  	v5 =	vshrl.u32 v4, $0x3  }
0x40: {  	v5 =	vmul.u32 $0x30, v5  }
0x41: {  	v4 =	vand.u32 $0x7, v4  }
0x42: {  	v4 =	vor.u32 v4, v5  }
0x43: {  	v5 =	vperm.xlane v4, v1;
	_ =	sdelay $0x1  }
0x44: {  	v5 =	vadd.s32 v2, v5;
	_ =	sdelay $0x3  }
0x45: {  	s30 =	simm.s32 $0x7600;
	v4 =	vperm.xlane v4, v3  }
0x46: {  	[tilespmem:s30], [sflag:$0x1] =	stream.indirect_vreg.gather [hbm4b:s1+s4], $0x80, v5, vm0, $0xb8;
	[tilespmem:$0x10600] =	vst v63  }
0x47: {  	s3 =	simm.s32 $0x7E00;
	v4 =	vadd.s32 v2, v4  }
0x48: {  	[tilespmem:s3], [sflag:$0x1] =	stream.indirect_vreg.gather [hbm4b:s10+s4], $0x80, v5, vm0, $0xb8;
	[tilespmem:$0x10600] =	vst v63  }
0x49: {  	s9 =	simm.s32 $0x8600  }
0x4a: {  	[tilespmem:s9], [sflag:$0x1] =	stream.indirect_vreg.gather [hbm4b:s11+s4], $0x80, v5, vm0, $0xb8;
	[tilespmem:$0x10600] =	vst v63  }
0x4b: {  	s14 =	simm.s32 $0x8E00  }
0x4c: {  	[tilespmem:s14], [sflag:$0x1] =	stream.indirect_vreg.gather [hbm4b:s1+s4], $0x80, v4, vm0, $0xb8;
	[tilespmem:$0x10600] =	vst v63  }
0x4d: {  	s21 =	simm.s32 $0x9600  }
0x4e: {  	[tilespmem:s21], [sflag:$0x1] =	stream.indirect_vreg.gather [hbm4b:s10+s4], $0x80, v4, vm0, $0xb8;
	[tilespmem:$0x10600] =	vst v63  }
0x4f: {  	s22 =	simm.s32 $0x9E00  }
0x50: {  	[tilespmem:s22], [sflag:$0x1] =	stream.indirect_vreg.gather [hbm4b:s11+s4], $0x80, v4, vm0, $0xb8;
	[tilespmem:$0x10600] =	vst v63  }
0x51: {  	v4 =	vld [tilespmem:s5+$0x2020];
	_ =	sdelay $0x4  }
0x52: {  	v5 =	vshrl.u32 v4, $0x3  }
0x53: {  	v5 =	vmul.u32 $0x30, v5  }
0x54: {  	v4 =	vand.u32 $0x7, v4  }
0x55: {  	v4 =	vor.u32 v4, v5  }
0x56: {  	v5 =	vperm.xlane v4, v1;
	_ =	sdelay $0x1  }
0x57: {  	v5 =	vadd.s32 v2, v5;
	_ =	sdelay $0x3  }
0x58: {  	s23 =	simm.s32 $0xA600;
	v4 =	vperm.xlane v4, v3  }
0x59: {  	[tilespmem:s23], [sflag:$0x1] =	stream.indirect_vreg.gather [hbm4b:s1+s4], $0x80, v5, vm0, $0xb8;
	[tilespmem:$0x10600] =	vst v63  }
0x5a: {  	s25 =	simm.s32 $0xAE00;
	v4 =	vadd.s32 v2, v4  }
0x5b: {  	[tilespmem:s25], [sflag:$0x1] =	stream.indirect_vreg.gather [hbm4b:s10+s4], $0x80, v5, vm0, $0xb8;
	[tilespmem:$0x10600] =	vst v63  }
0x5c: {  	s26 =	simm.s32 $0xB600  }
0x5d: {  	[tilespmem:s26], [sflag:$0x1] =	stream.indirect_vreg.gather [hbm4b:s11+s4], $0x80, v5, vm0, $0xb8;
	[tilespmem:$0x10600] =	vst v63  }
0x5e: {  	s28 =	simm.s32 $0xBE00  }
0x5f: {  	[tilespmem:s28], [sflag:$0x1] =	stream.indirect_vreg.gather [hbm4b:s1+s4], $0x80, v4, vm0, $0xb8;
	[tilespmem:$0x10600] =	vst v63  }
0x60: {  	s30 =	simm.s32 $0xC600  }
0x61: {  	[tilespmem:s30], [sflag:$0x1] =	stream.indirect_vreg.gather [hbm4b:s10+s4], $0x80, v4, vm0, $0xb8;
	[tilespmem:$0x10600] =	vst v63  }
0x62: {  	s9 =	simm.s32 $0xCE00  }
0x63: {  	[tilespmem:s9], [sflag:$0x1] =	stream.indirect_vreg.gather [hbm4b:s11+s4], $0x80, v4, vm0, $0xb8;
	[tilespmem:$0x10600] =	vst v63  }
0x64: {  	v4 =	vld [tilespmem:s5+$0x2030];
	_ =	sdelay $0x4  }
0x65: {  	v5 =	vshrl.u32 v4, $0x3  }
0x66: {  	v5 =	vmul.u32 $0x30, v5  }
0x67: {  	v4 =	vand.u32 $0x7, v4  }
0x68: {  	v4 =	vor.u32 v4, v5  }
0x69: {  	v5 =	vperm.xlane v4, v1;
	_ =	sdelay $0x1  }
0x6a: {  	v5 =	vadd.s32 v2, v5;
	_ =	sdelay $0x3  }
0x6b: {  	v4 =	vperm.xlane v4, v3  }
0x6c: {  	[tilespmem:s15], [sflag:$0x1] =	stream.indirect_vreg.gather [hbm4b:s1+s4], $0x80, v5, vm0, $0xb8;
	[tilespmem:$0x10600] =	vst v63  }
0x6d: {  	s22 =	simm.s32 $0xDE00;
	v4 =	vadd.s32 v2, v4  }
0x6e: {  	[tilespmem:s22], [sflag:$0x1] =	stream.indirect_vreg.gather [hbm4b:s10+s4], $0x80, v5, vm0, $0xb8;
	[tilespmem:$0x10600] =	vst v63  }
0x6f: {  	s23 =	simm.s32 $0xE600  }
0x70: {  	[tilespmem:s23], [sflag:$0x1] =	stream.indirect_vreg.gather [hbm4b:s11+s4], $0x80, v5, vm0, $0xb8;
	[tilespmem:$0x10600] =	vst v63  }
0x71: {  	_ = 	snop  }
0x72: {  	[tilespmem:s13], [sflag:$0x1] =	stream.indirect_vreg.gather [hbm4b:s1+s4], $0x80, v4, vm0, $0xb8;
	[tilespmem:$0x10600] =	vst v63  }
0x73: {  	_ = 	snop  }
0x74: {  	[tilespmem:s12], [sflag:$0x1] =	stream.indirect_vreg.gather [hbm4b:s10+s4], $0x80, v4, vm0, $0xb8;
	[tilespmem:$0x10600] =	vst v63  }
0x75: {  	_ = 	snop  }
0x76: {  	[tilespmem:s24], [sflag:$0x1] =	stream.indirect_vreg.gather [hbm4b:s11+s4], $0x80, v4, vm0, $0xb8;
	[tilespmem:$0x10600] =	vst v63  }
0x77: {  	_ =	swait.ge [sflag:s16], $0xC000  }
0x78: {  	[sflag:s16] =	ssyncset.done $0x0  }
0x79: {  	s14 =	rddreg [dreg:$0x4];
	[sflag:s16] =	ssyncadd.s32 $0xFFFF4000  }
0x7a: {  	[hbm4b:s14+s4] =	stream.linear.scatter [tilespmem:s31], [sflag:$0x2], $0xC000, $0x38;
	[tilespmem:$0x10600] =	vst v63  }
0x7b: {  	_ =	swait.ge [sflag:s18], $0xC000  }
0x7c: {  	[sflag:s18] =	ssyncset.done $0x0  }
0x7d: {  	s25 =	rddreg [dreg:$0xb];
	[sflag:s18] =	ssyncadd.s32 $0xFFFF4000  }
0x7e: {  	v4 =	vld [tilespmem:s25+$0x2000];
	_ =	sdelay $0x4  }
0x7f: {  	v5 =	vshrl.u32 v4, $0x3  }
0x80: {  	v5 =	vmul.u32 $0x30, v5  }
0x81: {  	v4 =	vand.u32 $0x7, v4  }
0x82: {  	v4 =	vor.u32 v4, v5  }
0x83: {  	v5 =	vperm.xlane v4, v1;
	_ =	sdelay $0x1  }
0x84: {  	v5 =	vadd.s32 v2, v5;
	_ =	sdelay $0x3  }
0x85: {  	v4 =	vperm.xlane v4, v3  }
0x86: {  	[tilespmem:s31], [sflag:$0x1] =	stream.indirect_vreg.gather [hbm4b:s1+s4], $0x80, v5, vm0, $0xb8;
	[tilespmem:$0x10600] =	vst v63  }
0x87: {  	s2 =	simm.s32 $0x4E00;
	v4 =	vadd.s32 v2, v4  }
0x88: {  	[tilespmem:s2], [sflag:$0x1] =	stream.indirect_vreg.gather [hbm4b:s10+s4], $0x80, v5, vm0, $0xb8;
	[tilespmem:$0x10600] =	vst v63  }
0x89: {  	s6 =	simm.s32 $0x5600  }
0x8a: {  	[tilespmem:s6], [sflag:$0x1] =	stream.indirect_vreg.gather [hbm4b:s11+s4], $0x80, v5, vm0, $0xb8;
	[tilespmem:$0x10600] =	vst v63  }
0x8b: {  	s7 =	simm.s32 $0x5E00  }
0x8c: {  	[tilespmem:s7], [sflag:$0x1] =	stream.indirect_vreg.gather [hbm4b:s1+s4], $0x80, v4, vm0, $0xb8;
	[tilespmem:$0x10600] =	vst v63  }
0x8d: {  	s20 =	simm.s32 $0x6600  }
0x8e: {  	[tilespmem:s20], [sflag:$0x1] =	stream.indirect_vreg.gather [hbm4b:s10+s4], $0x80, v4, vm0, $0xb8;
	[tilespmem:$0x10600] =	vst v63  }
0x8f: {  	s8 =	simm.s32 $0x6E00  }
0x90: {  	[tilespmem:s8], [sflag:$0x1] =	stream.indirect_vreg.gather [hbm4b:s11+s4], $0x80, v4, vm0, $0xb8;
	[tilespmem:$0x10600] =	vst v63  }
0x91: {  	v4 =	vld [tilespmem:s25+$0x2010];
	_ =	sdelay $0x4  }
0x92: {  	v5 =	vshrl.u32 v4, $0x3  }
0x93: {  	v5 =	vmul.u32 $0x30, v5  }
0x94: {  	v4 =	vand.u32 $0x7, v4  }
0x95: {  	v4 =	vor.u32 v4, v5  }
0x96: {  	v5 =	vperm.xlane v4, v1;
	_ =	sdelay $0x1  }
0x97: {  	v5 =	vadd.s32 v2, v5;
	_ =	sdelay $0x3  }
0x98: {  	s8 =	simm.s32 $0x7600;
	v4 =	vperm.xlane v4, v3  }
0x99: {  	[tilespmem:s8], [sflag:$0x1] =	stream.indirect_vreg.gather [hbm4b:s1+s4], $0x80, v5, vm0, $0xb8;
	[tilespmem:$0x10600] =	vst v63  }
0x9a: {  	s29 =	simm.s32 $0x7E00;
	v4 =	vadd.s32 v2, v4  }
0x9b: {  	[tilespmem:s29], [sflag:$0x1] =	stream.indirect_vreg.gather [hbm4b:s10+s4], $0x80, v5, vm0, $0xb8;
	[tilespmem:$0x10600] =	vst v63  }
0x9c: {  	s14 =	simm.s32 $0x8600  }
0x9d: {  	[tilespmem:s14], [sflag:$0x1] =	stream.indirect_vreg.gather [hbm4b:s11+s4], $0x80, v5, vm0, $0xb8;
	[tilespmem:$0x10600] =	vst v63  }
0x9e: {  	s9 =	simm.s32 $0x8E00  }
0x9f: {  	[tilespmem:s9], [sflag:$0x1] =	stream.indirect_vreg.gather [hbm4b:s1+s4], $0x80, v4, vm0, $0xb8;
	[tilespmem:$0x10600] =	vst v63  }
0xa0: {  	s0 =	simm.s32 $0x9600  }
0xa1: {  	[tilespmem:s0], [sflag:$0x1] =	stream.indirect_vreg.gather [hbm4b:s10+s4], $0x80, v4, vm0, $0xb8;
	[tilespmem:$0x10600] =	vst v63  }
0xa2: {  	s2 =	simm.s32 $0x9E00  }
0xa3: {  	[tilespmem:s2], [sflag:$0x1] =	stream.indirect_vreg.gather [hbm4b:s11+s4], $0x80, v4, vm0, $0xb8;
	[tilespmem:$0x10600] =	vst v63  }
0xa4: {  	v4 =	vld [tilespmem:s25+$0x2020];
	_ =	sdelay $0x4  }
0xa5: {  	v5 =	vshrl.u32 v4, $0x3  }
0xa6: {  	v5 =	vmul.u32 $0x30, v5  }
0xa7: {  	v4 =	vand.u32 $0x7, v4  }
0xa8: {  	v4 =	vor.u32 v4, v5  }
0xa9: {  	v5 =	vperm.xlane v4, v1;
	_ =	sdelay $0x1  }
0xaa: {  	v5 =	vadd.s32 v2, v5;
	_ =	sdelay $0x3  }
0xab: {  	s5 =	simm.s32 $0xA600;
	v4 =	vperm.xlane v4, v3  }
0xac: {  	[tilespmem:s5], [sflag:$0x1] =	stream.indirect_vreg.gather [hbm4b:s1+s4], $0x80, v5, vm0, $0xb8;
	[tilespmem:$0x10600] =	vst v63  }
0xad: {  	s3 =	simm.s32 $0xAE00;
	v4 =	vadd.s32 v2, v4  }
0xae: {  	[tilespmem:s3], [sflag:$0x1] =	stream.indirect_vreg.gather [hbm4b:s10+s4], $0x80, v5, vm0, $0xb8;
	[tilespmem:$0x10600] =	vst v63  }
0xaf: {  	s20 =	simm.s32 $0xB600  }
0xb0: {  	[tilespmem:s20], [sflag:$0x1] =	stream.indirect_vreg.gather [hbm4b:s11+s4], $0x80, v5, vm0, $0xb8;
	[tilespmem:$0x10600] =	vst v63  }
0xb1: {  	s6 =	simm.s32 $0xBE00  }
0xb2: {  	[tilespmem:s6], [sflag:$0x1] =	stream.indirect_vreg.gather [hbm4b:s1+s4], $0x80, v4, vm0, $0xb8;
	[tilespmem:$0x10600] =	vst v63  }
0xb3: {  	s7 =	simm.s32 $0xC600  }
0xb4: {  	[tilespmem:s7], [sflag:$0x1] =	stream.indirect_vreg.gather [hbm4b:s10+s4], $0x80, v4, vm0, $0xb8;
	[tilespmem:$0x10600] =	vst v63  }
0xb5: {  	s3 =	simm.s32 $0xCE00  }
0xb6: {  	[tilespmem:s3], [sflag:$0x1] =	stream.indirect_vreg.gather [hbm4b:s11+s4], $0x80, v4, vm0, $0xb8;
	[tilespmem:$0x10600] =	vst v63  }
0xb7: {  	v4 =	vld [tilespmem:s25+$0x2030];
	_ =	sdelay $0x4  }
0xb8: {  	v5 =	vshrl.u32 v4, $0x3  }
0xb9: {  	v5 =	vmul.u32 $0x30, v5  }
0xba: {  	v4 =	vand.u32 $0x7, v4  }
0xbb: {  	v4 =	vor.u32 v4, v5  }
0xbc: {  	v5 =	vperm.xlane v4, v1;
	_ =	sdelay $0x1  }
0xbd: {  	v5 =	vadd.s32 v2, v5;
	_ =	sdelay $0x3  }
0xbe: {  	v4 =	vperm.xlane v4, v3  }
0xbf: {  	[tilespmem:s15], [sflag:$0x1] =	stream.indirect_vreg.gather [hbm4b:s1+s4], $0x80, v5, vm0, $0xb8;
	[tilespmem:$0x10600] =	vst v63  }
0xc0: {  	v4 =	vadd.s32 v2, v4  }
0xc1: {  	[tilespmem:s22], [sflag:$0x1] =	stream.indirect_vreg.gather [hbm4b:s10+s4], $0x80, v5, vm0, $0xb8;
	[tilespmem:$0x10600] =	vst v63  }
0xc2: {  	_ = 	snop  }
0xc3: {  	[tilespmem:s23], [sflag:$0x1] =	stream.indirect_vreg.gather [hbm4b:s11+s4], $0x80, v5, vm0, $0xb8;
	[tilespmem:$0x10600] =	vst v63  }
0xc4: {  	_ = 	snop  }
0xc5: {  	[tilespmem:s13], [sflag:$0x1] =	stream.indirect_vreg.gather [hbm4b:s1+s4], $0x80, v4, vm0, $0xb8;
	[tilespmem:$0x10600] =	vst v63  }
0xc6: {  	_ = 	snop  }
0xc7: {  	[tilespmem:s12], [sflag:$0x1] =	stream.indirect_vreg.gather [hbm4b:s10+s4], $0x80, v4, vm0, $0xb8;
	[tilespmem:$0x10600] =	vst v63  }
0xc8: {  	_ = 	snop  }
0xc9: {  	[tilespmem:s24], [sflag:$0x1] =	stream.indirect_vreg.gather [hbm4b:s11+s4], $0x80, v4, vm0, $0xb8;
	[tilespmem:$0x10600] =	vst v63  }
0xca: {  	_ =	swait.ge [sflag:s16], $0xC000  }
0xcb: {  	[sflag:s16] =	ssyncset.done $0x0  }
0xcc: {  	s25 =	rddreg [dreg:$0x5];
	[sflag:s16] =	ssyncadd.s32 $0xFFFF4000  }
0xcd: {  	[hbm4b:s25+s4] =	stream.linear.scatter [tilespmem:s31], [sflag:$0x2], $0xC000, $0x38;
	[tilespmem:$0x10600] =	vst v63  }
0xce: {  	_ =	swait.ge [sflag:s18], $0xC000  }
0xcf: {  	[sflag:s18] =	ssyncset.done $0x0  }
0xd0: {  	s21 =	rddreg [dreg:$0xc];
	[sflag:s18] =	ssyncadd.s32 $0xFFFF4000  }
0xd1: {  	v4 =	vld [tilespmem:s21+$0x2000];
	_ =	sdelay $0x4  }
0xd2: {  	v5 =	vshrl.u32 v4, $0x3  }
0xd3: {  	v5 =	vmul.u32 $0x30, v5  }
0xd4: {  	v4 =	vand.u32 $0x7, v4  }
0xd5: {  	v4 =	vor.u32 v4, v5  }
0xd6: {  	v5 =	vperm.xlane v4, v1;
	_ =	sdelay $0x1  }
0xd7: {  	v5 =	vadd.s32 v2, v5;
	_ =	sdelay $0x3  }
0xd8: {  	v4 =	vperm.xlane v4, v3  }
0xd9: {  	[tilespmem:s31], [sflag:$0x1] =	stream.indirect_vreg.gather [hbm4b:s1+s4], $0x80, v5, vm0, $0xb8;
	[tilespmem:$0x10600] =	vst v63  }
0xda: {  	s25 =	simm.s32 $0x4E00;
	v4 =	vadd.s32 v2, v4  }
0xdb: {  	[tilespmem:s25], [sflag:$0x1] =	stream.indirect_vreg.gather [hbm4b:s10+s4], $0x80, v5, vm0, $0xb8;
	[tilespmem:$0x10600] =	vst v63  }
0xdc: {  	s25 =	simm.s32 $0x5600  }
0xdd: {  	[tilespmem:s25], [sflag:$0x1] =	stream.indirect_vreg.gather [hbm4b:s11+s4], $0x80, v5, vm0, $0xb8;
	[tilespmem:$0x10600] =	vst v63  }
0xde: {  	s26 =	simm.s32 $0x5E00  }
0xdf: {  	[tilespmem:s26], [sflag:$0x1] =	stream.indirect_vreg.gather [hbm4b:s1+s4], $0x80, v4, vm0, $0xb8;
	[tilespmem:$0x10600] =	vst v63  }
0xe0: {  	s28 =	simm.s32 $0x6600  }
0xe1: {  	[tilespmem:s28], [sflag:$0x1] =	stream.indirect_vreg.gather [hbm4b:s10+s4], $0x80, v4, vm0, $0xb8;
	[tilespmem:$0x10600] =	vst v63  }
0xe2: {  	s30 =	simm.s32 $0x6E00  }
0xe3: {  	[tilespmem:s30], [sflag:$0x1] =	stream.indirect_vreg.gather [hbm4b:s11+s4], $0x80, v4, vm0, $0xb8;
	[tilespmem:$0x10600] =	vst v63  }
0xe4: {  	v4 =	vld [tilespmem:s21+$0x2010];
	_ =	sdelay $0x4  }
0xe5: {  	v5 =	vshrl.u32 v4, $0x3  }
0xe6: {  	v5 =	vmul.u32 $0x30, v5  }
0xe7: {  	v4 =	vand.u32 $0x7, v4  }
0xe8: {  	v4 =	vor.u32 v4, v5  }
0xe9: {  	v5 =	vperm.xlane v4, v1;
	_ =	sdelay $0x1  }
0xea: {  	v5 =	vadd.s32 v2, v5;
	_ =	sdelay $0x3  }
0xeb: {  	v4 =	vperm.xlane v4, v3  }
0xec: {  	[tilespmem:s8], [sflag:$0x1] =	stream.indirect_vreg.gather [hbm4b:s1+s4], $0x80, v5, vm0, $0xb8;
	[tilespmem:$0x10600] =	vst v63  }
0xed: {  	v4 =	vadd.s32 v2, v4;
	s8 =	simm.s32 $0x7E00  }
0xee: {  	[tilespmem:s8], [sflag:$0x1] =	stream.indirect_vreg.gather [hbm4b:s10+s4], $0x80, v5, vm0, $0xb8;
	[tilespmem:$0x10600] =	vst v63  }
0xef: {  	_ = 	snop  }
0xf0: {  	[tilespmem:s14], [sflag:$0x1] =	stream.indirect_vreg.gather [hbm4b:s11+s4], $0x80, v5, vm0, $0xb8;
	[tilespmem:$0x10600] =	vst v63  }
0xf1: {  	_ = 	snop  }
0xf2: {  	[tilespmem:s9], [sflag:$0x1] =	stream.indirect_vreg.gather [hbm4b:s1+s4], $0x80, v4, vm0, $0xb8;
	[tilespmem:$0x10600] =	vst v63  }
0xf3: {  	_ = 	snop  }
0xf4: {  	[tilespmem:s0], [sflag:$0x1] =	stream.indirect_vreg.gather [hbm4b:s10+s4], $0x80, v4, vm0, $0xb8;
	[tilespmem:$0x10600] =	vst v63  }
0xf5: {  	_ = 	snop  }
0xf6: {  	[tilespmem:s2], [sflag:$0x1] =	stream.indirect_vreg.gather [hbm4b:s11+s4], $0x80, v4, vm0, $0xb8;
	[tilespmem:$0x10600] =	vst v63  }
0xf7: {  	v4 =	vld [tilespmem:s21+$0x2020];
	_ =	sdelay $0x4  }
0xf8: {  	v5 =	vshrl.u32 v4, $0x3  }
0xf9: {  	v5 =	vmul.u32 $0x30, v5  }
0xfa: {  	v4 =	vand.u32 $0x7, v4  }
0xfb: {  	v4 =	vor.u32 v4, v5  }
0xfc: {  	v5 =	vperm.xlane v4, v1;
	_ =	sdelay $0x1  }
0xfd: {  	v5 =	vadd.s32 v2, v5;
	_ =	sdelay $0x3  }
0xfe: {  	v4 =	vperm.xlane v4, v3  }
0xff: {  	[tilespmem:s5], [sflag:$0x1] =	stream.indirect_vreg.gather [hbm4b:s1+s4], $0x80, v5, vm0, $0xb8;
	[tilespmem:$0x10600] =	vst v63  }
0x100: {  	s29 =	simm.s32 $0xAE00;
	v4 =	vadd.s32 v2, v4  }
0x101: {  	[tilespmem:s29], [sflag:$0x1] =	stream.indirect_vreg.gather [hbm4b:s10+s4], $0x80, v5, vm0, $0xb8;
	[tilespmem:$0x10600] =	vst v63  }
0x102: {  	_ = 	snop  }
0x103: {  	[tilespmem:s20], [sflag:$0x1] =	stream.indirect_vreg.gather [hbm4b:s11+s4], $0x80, v5, vm0, $0xb8;
	[tilespmem:$0x10600] =	vst v63  }
0x104: {  	_ = 	snop  }
0x105: {  	[tilespmem:s6], [sflag:$0x1] =	stream.indirect_vreg.gather [hbm4b:s1+s4], $0x80, v4, vm0, $0xb8;
	[tilespmem:$0x10600] =	vst v63  }
0x106: {  	_ = 	snop  }
0x107: {  	[tilespmem:s7], [sflag:$0x1] =	stream.indirect_vreg.gather [hbm4b:s10+s4], $0x80, v4, vm0, $0xb8;
	[tilespmem:$0x10600] =	vst v63  }
0x108: {  	_ = 	snop  }
0x109: {  	[tilespmem:s3], [sflag:$0x1] =	stream.indirect_vreg.gather [hbm4b:s11+s4], $0x80, v4, vm0, $0xb8;
	[tilespmem:$0x10600] =	vst v63  }
0x10a: {  	v4 =	vld [tilespmem:s21+$0x2030];
	_ =	sdelay $0x4  }
0x10b: {  	v5 =	vshrl.u32 v4, $0x3  }
0x10c: {  	v5 =	vmul.u32 $0x30, v5  }
0x10d: {  	v4 =	vand.u32 $0x7, v4  }
0x10e: {  	v4 =	vor.u32 v4, v5  }
0x10f: {  	v5 =	vperm.xlane v4, v1;
	_ =	sdelay $0x1  }
0x110: {  	v5 =	vadd.s32 v2, v5;
	_ =	sdelay $0x3  }
0x111: {  	v4 =	vperm.xlane v4, v3  }
0x112: {  	[tilespmem:s15], [sflag:$0x1] =	stream.indirect_vreg.gather [hbm4b:s1+s4], $0x80, v5, vm0, $0xb8;
	[tilespmem:$0x10600] =	vst v63  }
0x113: {  	v4 =	vadd.s32 v2, v4  }
0x114: {  	[tilespmem:s22], [sflag:$0x1] =	stream.indirect_vreg.gather [hbm4b:s10+s4], $0x80, v5, vm0, $0xb8;
	[tilespmem:$0x10600] =	vst v63  }
0x115: {  	_ = 	snop  }
0x116: {  	[tilespmem:s23], [sflag:$0x1] =	stream.indirect_vreg.gather [hbm4b:s11+s4], $0x80, v5, vm0, $0xb8;
	[tilespmem:$0x10600] =	vst v63  }
0x117: {  	_ = 	snop  }
0x118: {  	[tilespmem:s13], [sflag:$0x1] =	stream.indirect_vreg.gather [hbm4b:s1+s4], $0x80, v4, vm0, $0xb8;
	[tilespmem:$0x10600] =	vst v63  }
0x119: {  	_ = 	snop  }
0x11a: {  	[tilespmem:s12], [sflag:$0x1] =	stream.indirect_vreg.gather [hbm4b:s10+s4], $0x80, v4, vm0, $0xb8;
	[tilespmem:$0x10600] =	vst v63  }
0x11b: {  	_ = 	snop  }
0x11c: {  	[tilespmem:s24], [sflag:$0x1] =	stream.indirect_vreg.gather [hbm4b:s11+s4], $0x80, v4, vm0, $0xb8;
	[tilespmem:$0x10600] =	vst v63  }
0x11d: {  	_ =	swait.ge [sflag:s16], $0xC000  }
0x11e: {  	[sflag:s16] =	ssyncset.done $0x0  }
0x11f: {  	s7 =	rddreg [dreg:$0x6];
	[sflag:s16] =	ssyncadd.s32 $0xFFFF4000  }
0x120: {  	[hbm4b:s7+s4] =	stream.linear.scatter [tilespmem:s31], [sflag:$0x2], $0xC000, $0x38;
	[tilespmem:$0x10600] =	vst v63  }
0x121: {  	_ =	swait.ge [sflag:s18], $0xC000  }
0x122: {  	[sflag:s18] =	ssyncset.done $0x0  }
0x123: {  	s21 =	rddreg [dreg:$0xd];
	[sflag:s18] =	ssyncadd.s32 $0xFFFF4000  }
0x124: {  	v4 =	vld [tilespmem:s21+$0x2000];
	_ =	sdelay $0x4  }
0x125: {  	v5 =	vshrl.u32 v4, $0x3  }
0x126: {  	v5 =	vmul.u32 $0x30, v5  }
0x127: {  	v4 =	vand.u32 $0x7, v4  }
0x128: {  	v4 =	vor.u32 v4, v5  }
0x129: {  	v5 =	vperm.xlane v4, v1;
	_ =	sdelay $0x1  }
0x12a: {  	v5 =	vadd.s32 v2, v5;
	_ =	sdelay $0x3  }
0x12b: {  	v4 =	vperm.xlane v4, v3  }
0x12c: {  	[tilespmem:s31], [sflag:$0x1] =	stream.indirect_vreg.gather [hbm4b:s1+s4], $0x80, v5, vm0, $0xb8;
	[tilespmem:$0x10600] =	vst v63  }
0x12d: {  	s14 =	simm.s32 $0x4E00;
	v4 =	vadd.s32 v2, v4  }
0x12e: {  	[tilespmem:s14], [sflag:$0x1] =	stream.indirect_vreg.gather [hbm4b:s10+s4], $0x80, v5, vm0, $0xb8;
	[tilespmem:$0x10600] =	vst v63  }
0x12f: {  	s25 =	simm.s32 $0x5600  }
0x130: {  	[tilespmem:s25], [sflag:$0x1] =	stream.indirect_vreg.gather [hbm4b:s11+s4], $0x80, v5, vm0, $0xb8;
	[tilespmem:$0x10600] =	vst v63  }
0x131: {  	s26 =	simm.s32 $0x5E00  }
0x132: {  	[tilespmem:s26], [sflag:$0x1] =	stream.indirect_vreg.gather [hbm4b:s1+s4], $0x80, v4, vm0, $0xb8;
	[tilespmem:$0x10600] =	vst v63  }
0x133: {  	s28 =	simm.s32 $0x6600  }
0x134: {  	[tilespmem:s28], [sflag:$0x1] =	stream.indirect_vreg.gather [hbm4b:s10+s4], $0x80, v4, vm0, $0xb8;
	[tilespmem:$0x10600] =	vst v63  }
0x135: {  	s26 =	simm.s32 $0x6E00  }
0x136: {  	[tilespmem:s26], [sflag:$0x1] =	stream.indirect_vreg.gather [hbm4b:s11+s4], $0x80, v4, vm0, $0xb8;
	[tilespmem:$0x10600] =	vst v63  }
0x137: {  	v4 =	vld [tilespmem:s21+$0x2010];
	_ =	sdelay $0x4  }
0x138: {  	v5 =	vshrl.u32 v4, $0x3  }
0x139: {  	v5 =	vmul.u32 $0x30, v5  }
0x13a: {  	v4 =	vand.u32 $0x7, v4  }
0x13b: {  	v4 =	vor.u32 v4, v5  }
0x13c: {  	v5 =	vperm.xlane v4, v1;
	_ =	sdelay $0x1  }
0x13d: {  	v5 =	vadd.s32 v2, v5;
	_ =	sdelay $0x3  }
0x13e: {  	s30 =	simm.s32 $0x7600;
	v4 =	vperm.xlane v4, v3  }
0x13f: {  	[tilespmem:s30], [sflag:$0x1] =	stream.indirect_vreg.gather [hbm4b:s1+s4], $0x80, v5, vm0, $0xb8;
	[tilespmem:$0x10600] =	vst v63  }
0x140: {  	s28 =	simm.s32 $0x7E00;
	v4 =	vadd.s32 v2, v4  }
0x141: {  	[tilespmem:s28], [sflag:$0x1] =	stream.indirect_vreg.gather [hbm4b:s10+s4], $0x80, v5, vm0, $0xb8;
	[tilespmem:$0x10600] =	vst v63  }
0x142: {  	s26 =	simm.s32 $0x8600  }
0x143: {  	[tilespmem:s26], [sflag:$0x1] =	stream.indirect_vreg.gather [hbm4b:s11+s4], $0x80, v5, vm0, $0xb8;
	[tilespmem:$0x10600] =	vst v63  }
0x144: {  	s28 =	simm.s32 $0x8E00  }
0x145: {  	[tilespmem:s28], [sflag:$0x1] =	stream.indirect_vreg.gather [hbm4b:s1+s4], $0x80, v4, vm0, $0xb8;
	[tilespmem:$0x10600] =	vst v63  }
0x146: {  	s9 =	simm.s32 $0x9600  }
0x147: {  	[tilespmem:s9], [sflag:$0x1] =	stream.indirect_vreg.gather [hbm4b:s10+s4], $0x80, v4, vm0, $0xb8;
	[tilespmem:$0x10600] =	vst v63  }
0x148: {  	s2 =	simm.s32 $0x9E00  }
0x149: {  	[tilespmem:s2], [sflag:$0x1] =	stream.indirect_vreg.gather [hbm4b:s11+s4], $0x80, v4, vm0, $0xb8;
	[tilespmem:$0x10600] =	vst v63  }
0x14a: {  	v4 =	vld [tilespmem:s21+$0x2020];
	_ =	sdelay $0x4  }
0x14b: {  	v5 =	vshrl.u32 v4, $0x3  }
0x14c: {  	v5 =	vmul.u32 $0x30, v5  }
0x14d: {  	v4 =	vand.u32 $0x7, v4  }
0x14e: {  	v4 =	vor.u32 v4, v5  }
0x14f: {  	v5 =	vperm.xlane v4, v1;
	_ =	sdelay $0x1  }
0x150: {  	v5 =	vadd.s32 v2, v5;
	_ =	sdelay $0x3  }
0x151: {  	s5 =	simm.s32 $0xA600;
	v4 =	vperm.xlane v4, v3  }
0x152: {  	[tilespmem:s5], [sflag:$0x1] =	stream.indirect_vreg.gather [hbm4b:s1+s4], $0x80, v5, vm0, $0xb8;
	[tilespmem:$0x10600] =	vst v63  }
0x153: {  	s29 =	simm.s32 $0xAE00;
	v4 =	vadd.s32 v2, v4  }
0x154: {  	[tilespmem:s29], [sflag:$0x1] =	stream.indirect_vreg.gather [hbm4b:s10+s4], $0x80, v5, vm0, $0xb8;
	[tilespmem:$0x10600] =	vst v63  }
0x155: {  	s8 =	simm.s32 $0xB600  }
0x156: {  	[tilespmem:s8], [sflag:$0x1] =	stream.indirect_vreg.gather [hbm4b:s11+s4], $0x80, v5, vm0, $0xb8;
	[tilespmem:$0x10600] =	vst v63  }
0x157: {  	s20 =	simm.s32 $0xBE00  }
0x158: {  	[tilespmem:s20], [sflag:$0x1] =	stream.indirect_vreg.gather [hbm4b:s1+s4], $0x80, v4, vm0, $0xb8;
	[tilespmem:$0x10600] =	vst v63  }
0x159: {  	s6 =	simm.s32 $0xC600  }
0x15a: {  	[tilespmem:s6], [sflag:$0x1] =	stream.indirect_vreg.gather [hbm4b:s10+s4], $0x80, v4, vm0, $0xb8;
	[tilespmem:$0x10600] =	vst v63  }
0x15b: {  	s20 =	simm.s32 $0xCE00  }
0x15c: {  	[tilespmem:s20], [sflag:$0x1] =	stream.indirect_vreg.gather [hbm4b:s11+s4], $0x80, v4, vm0, $0xb8;
	[tilespmem:$0x10600] =	vst v63  }
0x15d: {  	v4 =	vld [tilespmem:s21+$0x2030];
	_ =	sdelay $0x4  }
0x15e: {  	v5 =	vshrl.u32 v4, $0x3  }
0x15f: {  	v5 =	vmul.u32 $0x30, v5  }
0x160: {  	v4 =	vand.u32 $0x7, v4  }
0x161: {  	v4 =	vor.u32 v4, v5  }
0x162: {  	v5 =	vperm.xlane v4, v1;
	_ =	sdelay $0x1  }
0x163: {  	v5 =	vadd.s32 v2, v5;
	_ =	sdelay $0x3  }
0x164: {  	v4 =	vperm.xlane v4, v3  }
0x165: {  	[tilespmem:s15], [sflag:$0x1] =	stream.indirect_vreg.gather [hbm4b:s1+s4], $0x80, v5, vm0, $0xb8;
	[tilespmem:$0x10600] =	vst v63  }
0x166: {  	v4 =	vadd.s32 v2, v4  }
0x167: {  	[tilespmem:s22], [sflag:$0x1] =	stream.indirect_vreg.gather [hbm4b:s10+s4], $0x80, v5, vm0, $0xb8;
	[tilespmem:$0x10600] =	vst v63  }
0x168: {  	_ = 	snop  }
0x169: {  	[tilespmem:s23], [sflag:$0x1] =	stream.indirect_vreg.gather [hbm4b:s11+s4], $0x80, v5, vm0, $0xb8;
	[tilespmem:$0x10600] =	vst v63  }
0x16a: {  	_ = 	snop  }
0x16b: {  	[tilespmem:s13], [sflag:$0x1] =	stream.indirect_vreg.gather [hbm4b:s1+s4], $0x80, v4, vm0, $0xb8;
	[tilespmem:$0x10600] =	vst v63  }
0x16c: {  	_ = 	snop  }
0x16d: {  	[tilespmem:s12], [sflag:$0x1] =	stream.indirect_vreg.gather [hbm4b:s10+s4], $0x80, v4, vm0, $0xb8;
	[tilespmem:$0x10600] =	vst v63  }
0x16e: {  	_ = 	snop  }
0x16f: {  	[tilespmem:s24], [sflag:$0x1] =	stream.indirect_vreg.gather [hbm4b:s11+s4], $0x80, v4, vm0, $0xb8;
	[tilespmem:$0x10600] =	vst v63  }
0x170: {  	_ =	swait.ge [sflag:s16], $0xC000  }
0x171: {  	[sflag:s16] =	ssyncset.done $0x0  }
0x172: {  	s23 =	rddreg [dreg:$0x7];
	[sflag:s16] =	ssyncadd.s32 $0xFFFF4000  }
0x173: {  	[hbm4b:s23+s4] =	stream.linear.scatter [tilespmem:s31], [sflag:$0x2], $0xC000, $0x38;
	[tilespmem:$0x10600] =	vst v63  }
0x174: {  	_ =	swait.ge [sflag:s18], $0xC000  }
0x175: {  	[sflag:s18] =	ssyncset.done $0x0  }
0x176: {  	s6 =	rddreg [dreg:$0xa];
	[sflag:s18] =	ssyncadd.s32 $0xFFFF4000  }
0x177: {  	v4 =	vld [tilespmem:s6+$0x2000];
	_ =	sdelay $0x4  }
0x178: {  	v5 =	vshrl.u32 v4, $0x3  }
0x179: {  	v5 =	vmul.u32 $0x30, v5  }
0x17a: {  	v4 =	vand.u32 $0x7, v4  }
0x17b: {  	v4 =	vor.u32 v4, v5  }
0x17c: {  	v5 =	vperm.xlane v4, v1;
	_ =	sdelay $0x1  }
0x17d: {  	v5 =	vadd.s32 v2, v5;
	_ =	sdelay $0x3  }
0x17e: {  	v4 =	vperm.xlane v4, v3  }
0x17f: {  	[tilespmem:s31], [sflag:$0x1] =	stream.indirect_vreg.gather [hbm4b:s1+s4], $0x80, v5, vm0, $0xb8;
	[tilespmem:$0x10600] =	vst v63  }
0x180: {  	s7 =	simm.s32 $0x4E00;
	v4 =	vadd.s32 v2, v4  }
0x181: {  	[tilespmem:s7], [sflag:$0x1] =	stream.indirect_vreg.gather [hbm4b:s10+s4], $0x80, v5, vm0, $0xb8;
	[tilespmem:$0x10600] =	vst v63  }
0x182: {  	s0 =	simm.s32 $0x5600  }
0x183: {  	[tilespmem:s0], [sflag:$0x1] =	stream.indirect_vreg.gather [hbm4b:s11+s4], $0x80, v5, vm0, $0xb8;
	[tilespmem:$0x10600] =	vst v63  }
0x184: {  	s3 =	simm.s32 $0x5E00  }
0x185: {  	[tilespmem:s3], [sflag:$0x1] =	stream.indirect_vreg.gather [hbm4b:s1+s4], $0x80, v4, vm0, $0xb8;
	[tilespmem:$0x10600] =	vst v63  }
0x186: {  	s14 =	simm.s32 $0x6600  }
0x187: {  	[tilespmem:s14], [sflag:$0x1] =	stream.indirect_vreg.gather [hbm4b:s10+s4], $0x80, v4, vm0, $0xb8;
	[tilespmem:$0x10600] =	vst v63  }
0x188: {  	s14 =	simm.s32 $0x6E00  }
0x189: {  	[tilespmem:s14], [sflag:$0x1] =	stream.indirect_vreg.gather [hbm4b:s11+s4], $0x80, v4, vm0, $0xb8;
	[tilespmem:$0x10600] =	vst v63  }
0x18a: {  	v4 =	vld [tilespmem:s6+$0x2010];
	_ =	sdelay $0x4  }
0x18b: {  	v5 =	vshrl.u32 v4, $0x3  }
0x18c: {  	v5 =	vmul.u32 $0x30, v5  }
0x18d: {  	v4 =	vand.u32 $0x7, v4  }
0x18e: {  	v4 =	vor.u32 v4, v5  }
0x18f: {  	v5 =	vperm.xlane v4, v1;
	_ =	sdelay $0x1  }
0x190: {  	v5 =	vadd.s32 v2, v5;
	_ =	sdelay $0x3  }
0x191: {  	s30 =	simm.s32 $0x7600;
	v4 =	vperm.xlane v4, v3  }
0x192: {  	[tilespmem:s30], [sflag:$0x1] =	stream.indirect_vreg.gather [hbm4b:s1+s4], $0x80, v5, vm0, $0xb8;
	[tilespmem:$0x10600] =	vst v63  }
0x193: {  	s20 =	simm.s32 $0x7E00;
	v4 =	vadd.s32 v2, v4  }
0x194: {  	[tilespmem:s20], [sflag:$0x1] =	stream.indirect_vreg.gather [hbm4b:s10+s4], $0x80, v5, vm0, $0xb8;
	[tilespmem:$0x10600] =	vst v63  }
0x195: {  	s22 =	simm.s32 $0x8600  }
0x196: {  	[tilespmem:s22], [sflag:$0x1] =	stream.indirect_vreg.gather [hbm4b:s11+s4], $0x80, v5, vm0, $0xb8;
	[tilespmem:$0x10600] =	vst v63  }
0x197: {  	s23 =	simm.s32 $0x8E00  }
0x198: {  	[tilespmem:s23], [sflag:$0x1] =	stream.indirect_vreg.gather [hbm4b:s1+s4], $0x80, v4, vm0, $0xb8;
	[tilespmem:$0x10600] =	vst v63  }
0x199: {  	s9 =	simm.s32 $0x9600  }
0x19a: {  	[tilespmem:s9], [sflag:$0x1] =	stream.indirect_vreg.gather [hbm4b:s10+s4], $0x80, v4, vm0, $0xb8;
	[tilespmem:$0x10600] =	vst v63  }
0x19b: {  	s25 =	simm.s32 $0x9E00  }
0x19c: {  	[tilespmem:s25], [sflag:$0x1] =	stream.indirect_vreg.gather [hbm4b:s11+s4], $0x80, v4, vm0, $0xb8;
	[tilespmem:$0x10600] =	vst v63  }
0x19d: {  	v4 =	vld [tilespmem:s6+$0x2020];
	_ =	sdelay $0x4  }
0x19e: {  	v5 =	vshrl.u32 v4, $0x3  }
0x19f: {  	v5 =	vmul.u32 $0x30, v5  }
0x1a0: {  	v4 =	vand.u32 $0x7, v4  }
0x1a1: {  	v4 =	vor.u32 v4, v5  }
0x1a2: {  	v5 =	vperm.xlane v4, v1;
	_ =	sdelay $0x1  }
0x1a3: {  	v5 =	vadd.s32 v2, v5;
	_ =	sdelay $0x3  }
0x1a4: {  	s2 =	simm.s32 $0xA600;
	v4 =	vperm.xlane v4, v3  }
0x1a5: {  	[tilespmem:s2], [sflag:$0x1] =	stream.indirect_vreg.gather [hbm4b:s1+s4], $0x80, v5, vm0, $0xb8;
	[tilespmem:$0x10600] =	vst v63  }
0x1a6: {  	s29 =	simm.s32 $0xAE00;
	v4 =	vadd.s32 v2, v4  }
0x1a7: {  	[tilespmem:s29], [sflag:$0x1] =	stream.indirect_vreg.gather [hbm4b:s10+s4], $0x80, v5, vm0, $0xb8;
	[tilespmem:$0x10600] =	vst v63  }
0x1a8: {  	s5 =	simm.s32 $0xB600  }
0x1a9: {  	[tilespmem:s5], [sflag:$0x1] =	stream.indirect_vreg.gather [hbm4b:s11+s4], $0x80, v5, vm0, $0xb8;
	[tilespmem:$0x10600] =	vst v63  }
0x1aa: {  	s28 =	simm.s32 $0xBE00  }
0x1ab: {  	[tilespmem:s28], [sflag:$0x1] =	stream.indirect_vreg.gather [hbm4b:s1+s4], $0x80, v4, vm0, $0xb8;
	[tilespmem:$0x10600] =	vst v63  }
0x1ac: {  	s26 =	simm.s32 $0xC600  }
0x1ad: {  	[tilespmem:s26], [sflag:$0x1] =	stream.indirect_vreg.gather [hbm4b:s10+s4], $0x80, v4, vm0, $0xb8;
	[tilespmem:$0x10600] =	vst v63  }
0x1ae: {  	s8 =	simm.s32 $0xCE00  }
0x1af: {  	[tilespmem:s8], [sflag:$0x1] =	stream.indirect_vreg.gather [hbm4b:s11+s4], $0x80, v4, vm0, $0xb8;
	[tilespmem:$0x10600] =	vst v63  }
0x1b0: {  	_ =	swait.ge [sflag:s16], $0x9000  }
0x1b1: {  	[sflag:s16] =	ssyncset.done $0x0  }
0x1b2: {  	s29 =	rddreg [dreg:$0x8];
	[sflag:s16] =	ssyncadd.s32 $0xFFFF7000  }
0x1b3: {  	[hbm4b:s29+s4] =	stream.linear.scatter [tilespmem:s31], [sflag:$0x2], $0x9000, $0x38;
	[tilespmem:$0x10600] =	vst v63  }
0x1b4: {  	_ =	swait.ge [sflag:s18], $0x9000  }
0x1b5: {  	s17 =	sadd.s32 $0x1, s17;
	s30 =	rddreg [dreg:$0x9]  }
0x1b6: {  	p0 =	sne.s32 s17, s30  }
.Ltmp2:
0x1b7: {  	_ = 	snop;
	(pc) =	sbr.rel @p0 .LBB2_1-.Ltmp2, $3  }
0x1b8: {  	_ =	sdelay $0x1  }
0x1b9: {  	[sflag:s18] =	ssyncset.done $0x0  }
0x1ba: {  	[sflag:s18] =	ssyncadd.s32 $0xFFFF7000  }
0x1bb: {  	_ =	sfence.sel $0x180000  }
0x1bc: {  	[bflag:$0x0] =	sbarrier.arrive $0xFFFF  }
0x1bd: {  	_ =	strace $0x90000047  }
0x1be: {  	s0 =	stileid.u32;
	[bflag:$0x2] =	sbarrier.arrive $0xFFFF  }
0x1bf: {  	p0 =	sne.s32 s0, $0x0;
	s0 =	rddreg [dreg:$0x3]  }
0x1c0: {  	s0 =	sadd.s32 @!p0 $0x100000, s0  }
0x1c1: {  	[sflag:s0] =	ssyncadd.tile.s32 @!p0 $0x1;
	_ =	shalt  }
.Lfunc_end2:
_tile_overlayer_lowered:
.L_overlay_start_2:
0x1c2: {  	(tag) =	ssettag $0x2  }
0x1c3: {  	s0 =	rddreg [dreg:$0x0];
	s2 =	stileid.u32  }
0x1c4: {  	s1 =	rddreg [dreg:$0x1];
	p0 =	sne.s32 s2, $0x0  }
0x1c5: {  	s3 =	rddreg [dreg:$0x2];
	[bflag:$0x3] =	sbarrier.arrive $0xFFFF;
	s2 =	simm.s32 @!p0 $0x1C02  }
0x1c6: {  	[timem:s3], [sflag:s2] =	dma.local @!p0 [hbm:s0], s1  }
0x1c7: {  	s0 =	simm.s32 @!p0 $0x2  }
0x1c8: {  	_ =	swait.ge @!p0 [sflag:s0], s1  }
0x1c9: {  	s1 =	ssub.s32 @!p0 $0x0, s1;
	[sflag:s0] =	ssyncset.done @!p0 $0x0  }
0x1ca: {  	[sflag:s0] =	ssyncadd.s32 @!p0 s1  }
0x1cb: {  	[bflag:$0x3] =	sbarrier.arrive $0xFFFF  }
0x1cc: {  	_ =	shalt  }

</sc_bundles>
